<compile_context>
chip_gen: v7x
topology: tpu7x:2x2x1
jax: 0.10.2.dev20260603
libtpu: 0.0.44.dev20260713+nightly
codegen_flags: <defaults>
</compile_context>

<pallas_src>
import functools

import jax
import jax.numpy as jnp
from jax import lax
from jax.experimental import pallas as pl
from jax.experimental.pallas import tpu as pltpu
from jax.experimental.pallas import tpu_sc as plsc

BATCH = 4
SEQ = 8192
DM = 1024
CHUNK = 48


NBUF = 2


@functools.cache
def _sc_copy_kernel():
    info = plsc.get_sparse_core_info()
    nw = info.num_cores * info.num_subcores
    rows_per = SEQ // nw
    sizes = [CHUNK] * (rows_per // CHUNK)
    if rows_per % CHUNK:
        sizes.insert(0, rows_per % CHUNK)
    offs = [sum(sizes[:i]) for i in range(len(sizes))]
    nch = len(sizes)
    mesh = plsc.VectorSubcoreMesh(core_axis_name="c", subcore_axis_name="s")

    @functools.partial(
        pl.kernel,
        mesh=mesh,
        out_type=jax.ShapeDtypeStruct((BATCH, SEQ, DM), jnp.float32),
        scratch_types=(
            [pltpu.VMEM((CHUNK, DM), jnp.float32)] * NBUF
            + [pltpu.SemaphoreType.DMA] * (2 * NBUF)
        ),
    )
    def sc_copy(table_hbm, out_hbm, *scratch):
        bufs = scratch[:NBUF]
        lsem = scratch[NBUF : 2 * NBUF]
        ssem = scratch[2 * NBUF :]
        wid = lax.axis_index("s") * info.num_cores + lax.axis_index("c")
        base = wid * rows_per

        def row(k):
            return base + offs[k]

        def buf(k):
            b = bufs[k % NBUF]
            return b if sizes[k] == CHUNK else b.at[pl.ds(0, sizes[k])]

        loads = {}
        stores = {}
        for j in range(min(NBUF - 1, nch)):
            loads[j] = pltpu.async_copy(
                table_hbm.at[pl.ds(row(j), sizes[j])], buf(j), lsem[j]
            )
        for k in range(nch):
            loads[k].wait()
            stores[k] = [
                pltpu.async_copy(
                    buf(k), out_hbm.at[b, pl.ds(row(k), sizes[k])], ssem[k % NBUF]
                )
                for b in range(BATCH)
            ]
            nxt = k + NBUF - 1
            if nxt < nch:
                if k >= 1:
                    for h in stores[k - 1]:
                        h.wait()
                loads[nxt] = pltpu.async_copy(
                    table_hbm.at[pl.ds(row(nxt), sizes[nxt])], buf(nxt), lsem[nxt % NBUF]
                )
        for k in range(max(0, nch - NBUF), nch):
            for h in stores[k]:
                h.wait()

    return sc_copy


def kernel(x, table):
    del x
    return _sc_copy_kernel()(table)

# --- scband reference (transcript-rebuilt; emitter-appended) ---
"""Pipeline reference for scband-positional-embedding-8272107012259 (READ-ONLY COPY).

The authoritative reference and input builder live on the scoring server;
editing this copy changes nothing except your own understanding.
"""

import jax, jax.numpy as jnp
import numpy as np

D_MODEL = 1024
MAX_LEN = 8192
BATCH = 4
SEQ_LEN = 8192

def setup_inputs(seed: int = 0) -> dict:
    key = jax.random.key(seed)
    k1, k2 = jax.random.split(key)
    x = jax.random.randint(k1, (BATCH, SEQ_LEN), 0, 8192, dtype=jnp.int64 if jax.config.jax_enable_x64 else jnp.int32)
    table = jax.random.normal(k2, (MAX_LEN, D_MODEL), dtype=jnp.float32)
    return {"x": x, "table": table}

def reference(x, table):
    batch_size, seq_len = x.shape[0], x.shape[1]
    position_ids = jnp.arange(seq_len, dtype=jnp.int32)
    position_ids = jnp.broadcast_to(position_ids[None, :], (batch_size, seq_len))
    return jnp.take(table, position_ids, axis=0)

if __name__ == "__main__":
    import jax
    _d = setup_inputs()
    print(jax.jit(kernel)(*tuple(_d.values())))

</pallas_src>

<mosaic_0001>
#map = affine_map<(d0, d1) -> (0, 0)>
#map1 = affine_map<(d0, d1) -> (0, 0, 0)>
module attributes {stable_mosaic.version = 14 : i64} {
  func.func @sc_copy(%arg0: i32, %arg1: i32, %arg2: memref<8192x1024xf32, #tpu.memory_space<hbm>>, %arg3: memref<4x8192x1024xf32, #tpu.memory_space<hbm>>, %arg4: memref<48x1024xf32, #tpu.memory_space<vmem>>, %arg5: memref<48x1024xf32, #tpu.memory_space<vmem>>, %arg6: memref<!tpu.dma_semaphore, #tpu.memory_space<semaphore_mem>>, %arg7: memref<!tpu.dma_semaphore, #tpu.memory_space<semaphore_mem>>, %arg8: memref<!tpu.dma_semaphore, #tpu.memory_space<semaphore_mem>>, %arg9: memref<!tpu.dma_semaphore, #tpu.memory_space<semaphore_mem>>) attributes {dimension_semantics = [#tpu.dimension_semantics<core_parallel>, #tpu.dimension_semantics<subcore_parallel>], iteration_bounds = array<i64: 2, 16>, scalar_prefetch = 0 : i64, scratch_operands = 6 : i64, tpu.core_type = #tpu.core_type<sc_vector_subcore>, window_params = [{transform_indices = #map}, {transform_indices = #map1}]} {
    %mul3A = arith.constant 2 : i32
    %mul3A_0 = arith.muli %arg1, %mul3A : i32
    %add3A = arith.addi %mul3A_0, %arg0 : i32
    %mul3A_1 = arith.constant 256 : i32
    %mul3A_2 = arith.muli %add3A, %mul3A_1 : i32
    %add3A_3 = arith.constant 0 : i32
    %add3A_4 = arith.addi %mul3A_2, %add3A_3 : i32
    %dma_start3A = arith.constant 0 : i32
    %dma_start3A_5 = arith.constant 0 : i32
    %dma_start3A_6 = tpu.memref_slice %arg4[%dma_start3A, %dma_start3A_5] : memref<48x1024xf32, #tpu.memory_space<vmem>> -> memref<16x1024xf32, #tpu.memory_space<vmem>>
    %dma_start3A_7 = arith.constant 0 : i32
    %dma_start3A_8 = tpu.memref_slice %arg2[%add3A_4, %dma_start3A_7] : memref<8192x1024xf32, #tpu.memory_space<hbm>> -> memref<16x1024xf32, #tpu.memory_space<hbm>>
    %dma_start3A_9 = arith.constant 0 : i32
    %dma_start3A_10 = arith.constant 0 : i32
    %dma_start3A_11 = tpu.memref_slice %arg4[%dma_start3A_9, %dma_start3A_10] : memref<48x1024xf32, #tpu.memory_space<vmem>> -> memref<16x1024xf32, #tpu.memory_space<vmem>>
    %dma_start3A_12 = arith.constant 0 : i32
    %dma_start3A_13 = tpu.memref_slice %arg2[%add3A_4, %dma_start3A_12] : memref<8192x1024xf32, #tpu.memory_space<hbm>> -> memref<16x1024xf32, #tpu.memory_space<hbm>>
    tpu.enqueue_dma source(%dma_start3A_13 : memref<16x1024xf32, #tpu.memory_space<hbm>>) target(%dma_start3A_11 : memref<16x1024xf32, #tpu.memory_space<vmem>>) target_semaphore(%arg6 : memref<!tpu.dma_semaphore, #tpu.memory_space<semaphore_mem>>)
    %dma_wait3A = arith.constant 0 : i32
    %dma_wait3A_14 = arith.constant 0 : i32
    %dma_wait3A_15 = tpu.memref_slice %arg4[%dma_wait3A, %dma_wait3A_14] : memref<48x1024xf32, #tpu.memory_space<vmem>> -> memref<16x1024xf32, #tpu.memory_space<vmem>>
    %dma_wait3A_16 = arith.constant 0 : i32
    %dma_wait3A_17 = tpu.memref_slice %arg2[%add3A_4, %dma_wait3A_16] : memref<8192x1024xf32, #tpu.memory_space<hbm>> -> memref<16x1024xf32, #tpu.memory_space<hbm>>
    %dma_wait3A_18 = arith.constant 0 : i32
    %dma_wait3A_19 = arith.constant 0 : i32
    %dma_wait3A_20 = tpu.memref_slice %arg4[%dma_wait3A_18, %dma_wait3A_19] : memref<48x1024xf32, #tpu.memory_space<vmem>> -> memref<16x1024xf32, #tpu.memory_space<vmem>>
    %dma_wait3A_21 = arith.constant 0 : i32
    %dma_wait3A_22 = tpu.memref_slice %arg2[%add3A_4, %dma_wait3A_21] : memref<8192x1024xf32, #tpu.memory_space<hbm>> -> memref<16x1024xf32, #tpu.memory_space<hbm>>
    tpu.wait_dma2 semaphore(%arg6 : memref<!tpu.dma_semaphore, #tpu.memory_space<semaphore_mem>>) src(%dma_wait3A_22 : memref<16x1024xf32, #tpu.memory_space<hbm>>) dst(%dma_wait3A_20 : memref<16x1024xf32, #tpu.memory_space<vmem>>)
    %add3A_23 = arith.constant 0 : i32
    %add3A_24 = arith.addi %mul3A_2, %add3A_23 : i32
    %dma_start3A_25 = arith.constant 0 : i32
    %dma_start3A_26 = arith.constant 0 : i32
    %dma_start3A_27 = arith.constant 0 : i32
    %dma_start3A_28 = tpu.memref_slice %arg4[%dma_start3A_26, %dma_start3A_27] : memref<48x1024xf32, #tpu.memory_space<vmem>> -> memref<16x1024xf32, #tpu.memory_space<vmem>>
    %dma_start3A_29 = arith.constant 0 : i32
    %dma_start3A_30 = tpu.memref_slice %arg3[%dma_start3A_25, %add3A_24, %dma_start3A_29] : memref<4x8192x1024xf32, #tpu.memory_space<hbm>> -> memref<1x16x1024xf32, #tpu.memory_space<hbm>>
    %dma_start3A_31 = tpu.memref_squeeze %dma_start3A_30 : memref<1x16x1024xf32, #tpu.memory_space<hbm>> -> memref<16x1024xf32, #tpu.memory_space<hbm>>
    %dma_start3A_32 = arith.constant 0 : i32
    %dma_start3A_33 = tpu.memref_slice %arg3[%dma_start3A_25, %add3A_24, %dma_start3A_32] : memref<4x8192x1024xf32, #tpu.memory_space<hbm>> -> memref<1x16x1024xf32, #tpu.memory_space<hbm>>
    %dma_start3A_34 = tpu.memref_squeeze %dma_start3A_33 : memref<1x16x1024xf32, #tpu.memory_space<hbm>> -> memref<16x1024xf32, #tpu.memory_space<hbm>>
    %dma_start3A_35 = arith.constant 0 : i32
    %dma_start3A_36 = arith.constant 0 : i32
    %dma_start3A_37 = tpu.memref_slice %arg4[%dma_start3A_35, %dma_start3A_36] : memref<48x1024xf32, #tpu.memory_space<vmem>> -> memref<16x1024xf32, #tpu.memory_space<vmem>>
    tpu.enqueue_dma source(%dma_start3A_37 : memref<16x1024xf32, #tpu.memory_space<vmem>>) target(%dma_start3A_34 : memref<16x1024xf32, #tpu.memory_space<hbm>>) target_semaphore(%arg8 : memref<!tpu.dma_semaphore, #tpu.memory_space<semaphore_mem>>)
    %add3A_38 = arith.constant 0 : i32
    %add3A_39 = arith.addi %mul3A_2, %add3A_38 : i32
    %dma_start3A_40 = arith.constant 1 : i32
    %dma_start3A_41 = arith.constant 0 : i32
    %dma_start3A_42 = arith.constant 0 : i32
    %dma_start3A_43 = tpu.memref_slice %arg4[%dma_start3A_41, %dma_start3A_42] : memref<48x1024xf32, #tpu.memory_space<vmem>> -> memref<16x1024xf32, #tpu.memory_space<vmem>>
    %dma_start3A_44 = arith.constant 0 : i32
    %dma_start3A_45 = tpu.memref_slice %arg3[%dma_start3A_40, %add3A_39, %dma_start3A_44] : memref<4x8192x1024xf32, #tpu.memory_space<hbm>> -> memref<1x16x1024xf32, #tpu.memory_space<hbm>>
    %dma_start3A_46 = tpu.memref_squeeze %dma_start3A_45 : memref<1x16x1024xf32, #tpu.memory_space<hbm>> -> memref<16x1024xf32, #tpu.memory_space<hbm>>
    %dma_start3A_47 = arith.constant 0 : i32
    %dma_start3A_48 = tpu.memref_slice %arg3[%dma_start3A_40, %add3A_39, %dma_start3A_47] : memref<4x8192x1024xf32, #tpu.memory_space<hbm>> -> memref<1x16x1024xf32, #tpu.memory_space<hbm>>
    %dma_start3A_49 = tpu.memref_squeeze %dma_start3A_48 : memref<1x16x1024xf32, #tpu.memory_space<hbm>> -> memref<16x1024xf32, #tpu.memory_space<hbm>>
    %dma_start3A_50 = arith.constant 0 : i32
    %dma_start3A_51 = arith.constant 0 : i32
    %dma_start3A_52 = tpu.memref_slice %arg4[%dma_start3A_50, %dma_start3A_51] : memref<48x1024xf32, #tpu.memory_space<vmem>> -> memref<16x1024xf32, #tpu.memory_space<vmem>>
    tpu.enqueue_dma source(%dma_start3A_52 : memref<16x1024xf32, #tpu.memory_space<vmem>>) target(%dma_start3A_49 : memref<16x1024xf32, #tpu.memory_space<hbm>>) target_semaphore(%arg8 : memref<!tpu.dma_semaphore, #tpu.memory_space<semaphore_mem>>)
    %add3A_53 = arith.constant 0 : i32
    %add3A_54 = arith.addi %mul3A_2, %add3A_53 : i32
    %dma_start3A_55 = arith.constant 2 : i32
    %dma_start3A_56 = arith.constant 0 : i32
    %dma_start3A_57 = arith.constant 0 : i32
    %dma_start3A_58 = tpu.memref_slice %arg4[%dma_start3A_56, %dma_start3A_57] : memref<48x1024xf32, #tpu.memory_space<vmem>> -> memref<16x1024xf32, #tpu.memory_space<vmem>>
    %dma_start3A_59 = arith.constant 0 : i32
    %dma_start3A_60 = tpu.memref_slice %arg3[%dma_start3A_55, %add3A_54, %dma_start3A_59] : memref<4x8192x1024xf32, #tpu.memory_space<hbm>> -> memref<1x16x1024xf32, #tpu.memory_space<hbm>>
    %dma_start3A_61 = tpu.memref_squeeze %dma_start3A_60 : memref<1x16x1024xf32, #tpu.memory_space<hbm>> -> memref<16x1024xf32, #tpu.memory_space<hbm>>
    %dma_start3A_62 = arith.constant 0 : i32
    %dma_start3A_63 = tpu.memref_slice %arg3[%dma_start3A_55, %add3A_54, %dma_start3A_62] : memref<4x8192x1024xf32, #tpu.memory_space<hbm>> -> memref<1x16x1024xf32, #tpu.memory_space<hbm>>
    %dma_start3A_64 = tpu.memref_squeeze %dma_start3A_63 : memref<1x16x1024xf32, #tpu.memory_space<hbm>> -> memref<16x1024xf32, #tpu.memory_space<hbm>>
    %dma_start3A_65 = arith.constant 0 : i32
    %dma_start3A_66 = arith.constant 0 : i32
    %dma_start3A_67 = tpu.memref_slice %arg4[%dma_start3A_65, %dma_start3A_66] : memref<48x1024xf32, #tpu.memory_space<vmem>> -> memref<16x1024xf32, #tpu.memory_space<vmem>>
    tpu.enqueue_dma source(%dma_start3A_67 : memref<16x1024xf32, #tpu.memory_space<vmem>>) target(%dma_start3A_64 : memref<16x1024xf32, #tpu.memory_space<hbm>>) target_semaphore(%arg8 : memref<!tpu.dma_semaphore, #tpu.memory_space<semaphore_mem>>)
    %add3A_68 = arith.constant 0 : i32
    %add3A_69 = arith.addi %mul3A_2, %add3A_68 : i32
    %dma_start3A_70 = arith.constant 3 : i32
    %dma_start3A_71 = arith.constant 0 : i32
    %dma_start3A_72 = arith.constant 0 : i32
    %dma_start3A_73 = tpu.memref_slice %arg4[%dma_start3A_71, %dma_start3A_72] : memref<48x1024xf32, #tpu.memory_space<vmem>> -> memref<16x1024xf32, #tpu.memory_space<vmem>>
    %dma_start3A_74 = arith.constant 0 : i32
    %dma_start3A_75 = tpu.memref_slice %arg3[%dma_start3A_70, %add3A_69, %dma_start3A_74] : memref<4x8192x1024xf32, #tpu.memory_space<hbm>> -> memref<1x16x1024xf32, #tpu.memory_space<hbm>>
    %dma_start3A_76 = tpu.memref_squeeze %dma_start3A_75 : memref<1x16x1024xf32, #tpu.memory_space<hbm>> -> memref<16x1024xf32, #tpu.memory_space<hbm>>
    %dma_start3A_77 = arith.constant 0 : i32
    %dma_start3A_78 = tpu.memref_slice %arg3[%dma_start3A_70, %add3A_69, %dma_start3A_77] : memref<4x8192x1024xf32, #tpu.memory_space<hbm>> -> memref<1x16x1024xf32, #tpu.memory_space<hbm>>
    %dma_start3A_79 = tpu.memref_squeeze %dma_start3A_78 : memref<1x16x1024xf32, #tpu.memory_space<hbm>> -> memref<16x1024xf32, #tpu.memory_space<hbm>>
    %dma_start3A_80 = arith.constant 0 : i32
    %dma_start3A_81 = arith.constant 0 : i32
    %dma_start3A_82 = tpu.memref_slice %arg4[%dma_start3A_80, %dma_start3A_81] : memref<48x1024xf32, #tpu.memory_space<vmem>> -> memref<16x1024xf32, #tpu.memory_space<vmem>>
    tpu.enqueue_dma source(%dma_start3A_82 : memref<16x1024xf32, #tpu.memory_space<vmem>>) target(%dma_start3A_79 : memref<16x1024xf32, #tpu.memory_space<hbm>>) target_semaphore(%arg8 : memref<!tpu.dma_semaphore, #tpu.memory_space<semaphore_mem>>)
    %add3A_83 = arith.constant 16 : i32
    %add3A_84 = arith.addi %mul3A_2, %add3A_83 : i32
    %dma_start3A_85 = arith.constant 0 : i32
    %dma_start3A_86 = tpu.memref_slice %arg2[%add3A_84, %dma_start3A_85] : memref<8192x1024xf32, #tpu.memory_space<hbm>> -> memref<48x1024xf32, #tpu.memory_space<hbm>>
    %dma_start3A_87 = arith.constant 0 : i32
    %dma_start3A_88 = tpu.memref_slice %arg2[%add3A_84, %dma_start3A_87] : memref<8192x1024xf32, #tpu.memory_space<hbm>> -> memref<48x1024xf32, #tpu.memory_space<hbm>>
    tpu.enqueue_dma source(%dma_start3A_88 : memref<48x1024xf32, #tpu.memory_space<hbm>>) target(%arg5 : memref<48x1024xf32, #tpu.memory_space<vmem>>) target_semaphore(%arg7 : memref<!tpu.dma_semaphore, #tpu.memory_space<semaphore_mem>>)
    %dma_wait3A_89 = arith.constant 0 : i32
    %dma_wait3A_90 = tpu.memref_slice %arg2[%add3A_84, %dma_wait3A_89] : memref<8192x1024xf32, #tpu.memory_space<hbm>> -> memref<48x1024xf32, #tpu.memory_space<hbm>>
    %dma_wait3A_91 = arith.constant 0 : i32
    %dma_wait3A_92 = tpu.memref_slice %arg2[%add3A_84, %dma_wait3A_91] : memref<8192x1024xf32, #tpu.memory_space<hbm>> -> memref<48x1024xf32, #tpu.memory_space<hbm>>
    tpu.wait_dma2 semaphore(%arg7 : memref<!tpu.dma_semaphore, #tpu.memory_space<semaphore_mem>>) src(%dma_wait3A_92 : memref<48x1024xf32, #tpu.memory_space<hbm>>) dst(%arg5 : memref<48x1024xf32, #tpu.memory_space<vmem>>)
    %add3A_93 = arith.constant 16 : i32
    %add3A_94 = arith.addi %mul3A_2, %add3A_93 : i32
    %dma_start3A_95 = arith.constant 0 : i32
    %dma_start3A_96 = arith.constant 0 : i32
    %dma_start3A_97 = tpu.memref_slice %arg3[%dma_start3A_95, %add3A_94, %dma_start3A_96] : memref<4x8192x1024xf32, #tpu.memory_space<hbm>> -> memref<1x48x1024xf32, #tpu.memory_space<hbm>>
    %dma_start3A_98 = tpu.memref_squeeze %dma_start3A_97 : memref<1x48x1024xf32, #tpu.memory_space<hbm>> -> memref<48x1024xf32, #tpu.memory_space<hbm>>
    %dma_start3A_99 = arith.constant 0 : i32
    %dma_start3A_100 = tpu.memref_slice %arg3[%dma_start3A_95, %add3A_94, %dma_start3A_99] : memref<4x8192x1024xf32, #tpu.memory_space<hbm>> -> memref<1x48x1024xf32, #tpu.memory_space<hbm>>
    %dma_start3A_101 = tpu.memref_squeeze %dma_start3A_100 : memref<1x48x1024xf32, #tpu.memory_space<hbm>> -> memref<48x1024xf32, #tpu.memory_space<hbm>>
    tpu.enqueue_dma source(%arg5 : memref<48x1024xf32, #tpu.memory_space<vmem>>) target(%dma_start3A_101 : memref<48x1024xf32, #tpu.memory_space<hbm>>) target_semaphore(%arg9 : memref<!tpu.dma_semaphore, #tpu.memory_space<semaphore_mem>>)
    %add3A_102 = arith.constant 16 : i32
    %add3A_103 = arith.addi %mul3A_2, %add3A_102 : i32
    %dma_start3A_104 = arith.constant 1 : i32
    %dma_start3A_105 = arith.constant 0 : i32
    %dma_start3A_106 = tpu.memref_slice %arg3[%dma_start3A_104, %add3A_103, %dma_start3A_105] : memref<4x8192x1024xf32, #tpu.memory_space<hbm>> -> memref<1x48x1024xf32, #tpu.memory_space<hbm>>
    %dma_start3A_107 = tpu.memref_squeeze %dma_start3A_106 : memref<1x48x1024xf32, #tpu.memory_space<hbm>> -> memref<48x1024xf32, #tpu.memory_space<hbm>>
    %dma_start3A_108 = arith.constant 0 : i32
    %dma_start3A_109 = tpu.memref_slice %arg3[%dma_start3A_104, %add3A_103, %dma_start3A_108] : memref<4x8192x1024xf32, #tpu.memory_space<hbm>> -> memref<1x48x1024xf32, #tpu.memory_space<hbm>>
    %dma_start3A_110 = tpu.memref_squeeze %dma_start3A_109 : memref<1x48x1024xf32, #tpu.memory_space<hbm>> -> memref<48x1024xf32, #tpu.memory_space<hbm>>
    tpu.enqueue_dma source(%arg5 : memref<48x1024xf32, #tpu.memory_space<vmem>>) target(%dma_start3A_110 : memref<48x1024xf32, #tpu.memory_space<hbm>>) target_semaphore(%arg9 : memref<!tpu.dma_semaphore, #tpu.memory_space<semaphore_mem>>)
    %add3A_111 = arith.constant 16 : i32
    %add3A_112 = arith.addi %mul3A_2, %add3A_111 : i32
    %dma_start3A_113 = arith.constant 2 : i32
    %dma_start3A_114 = arith.constant 0 : i32
    %dma_start3A_115 = tpu.memref_slice %arg3[%dma_start3A_113, %add3A_112, %dma_start3A_114] : memref<4x8192x1024xf32, #tpu.memory_space<hbm>> -> memref<1x48x1024xf32, #tpu.memory_space<hbm>>
    %dma_start3A_116 = tpu.memref_squeeze %dma_start3A_115 : memref<1x48x1024xf32, #tpu.memory_space<hbm>> -> memref<48x1024xf32, #tpu.memory_space<hbm>>
    %dma_start3A_117 = arith.constant 0 : i32
    %dma_start3A_118 = tpu.memref_slice %arg3[%dma_start3A_113, %add3A_112, %dma_start3A_117] : memref<4x8192x1024xf32, #tpu.memory_space<hbm>> -> memref<1x48x1024xf32, #tpu.memory_space<hbm>>
    %dma_start3A_119 = tpu.memref_squeeze %dma_start3A_118 : memref<1x48x1024xf32, #tpu.memory_space<hbm>> -> memref<48x1024xf32, #tpu.memory_space<hbm>>
    tpu.enqueue_dma source(%arg5 : memref<48x1024xf32, #tpu.memory_space<vmem>>) target(%dma_start3A_119 : memref<48x1024xf32, #tpu.memory_space<hbm>>) target_semaphore(%arg9 : memref<!tpu.dma_semaphore, #tpu.memory_space<semaphore_mem>>)
    %add3A_120 = arith.constant 16 : i32
    %add3A_121 = arith.addi %mul3A_2, %add3A_120 : i32
    %dma_start3A_122 = arith.constant 3 : i32
    %dma_start3A_123 = arith.constant 0 : i32
    %dma_start3A_124 = tpu.memref_slice %arg3[%dma_start3A_122, %add3A_121, %dma_start3A_123] : memref<4x8192x1024xf32, #tpu.memory_space<hbm>> -> memref<1x48x1024xf32, #tpu.memory_space<hbm>>
    %dma_start3A_125 = tpu.memref_squeeze %dma_start3A_124 : memref<1x48x1024xf32, #tpu.memory_space<hbm>> -> memref<48x1024xf32, #tpu.memory_space<hbm>>
    %dma_start3A_126 = arith.constant 0 : i32
    %dma_start3A_127 = tpu.memref_slice %arg3[%dma_start3A_122, %add3A_121, %dma_start3A_126] : memref<4x8192x1024xf32, #tpu.memory_space<hbm>> -> memref<1x48x1024xf32, #tpu.memory_space<hbm>>
    %dma_start3A_128 = tpu.memref_squeeze %dma_start3A_127 : memref<1x48x1024xf32, #tpu.memory_space<hbm>> -> memref<48x1024xf32, #tpu.memory_space<hbm>>
    tpu.enqueue_dma source(%arg5 : memref<48x1024xf32, #tpu.memory_space<vmem>>) target(%dma_start3A_128 : memref<48x1024xf32, #tpu.memory_space<hbm>>) target_semaphore(%arg9 : memref<!tpu.dma_semaphore, #tpu.memory_space<semaphore_mem>>)
    %dma_wait3A_129 = arith.constant 0 : i32
    %dma_wait3A_130 = arith.constant 0 : i32
    %dma_wait3A_131 = arith.constant 0 : i32
    %dma_wait3A_132 = tpu.memref_slice %arg4[%dma_wait3A_130, %dma_wait3A_131] : memref<48x1024xf32, #tpu.memory_space<vmem>> -> memref<16x1024xf32, #tpu.memory_space<vmem>>
    %dma_wait3A_133 = arith.constant 0 : i32
    %dma_wait3A_134 = tpu.memref_slice %arg3[%dma_wait3A_129, %add3A_24, %dma_wait3A_133] : memref<4x8192x1024xf32, #tpu.memory_space<hbm>> -> memref<1x16x1024xf32, #tpu.memory_space<hbm>>
    %dma_wait3A_135 = tpu.memref_squeeze %dma_wait3A_134 : memref<1x16x1024xf32, #tpu.memory_space<hbm>> -> memref<16x1024xf32, #tpu.memory_space<hbm>>
    %dma_wait3A_136 = arith.constant 0 : i32
    %dma_wait3A_137 = tpu.memref_slice %arg3[%dma_wait3A_129, %add3A_24, %dma_wait3A_136] : memref<4x8192x1024xf32, #tpu.memory_space<hbm>> -> memref<1x16x1024xf32, #tpu.memory_space<hbm>>
    %dma_wait3A_138 = tpu.memref_squeeze %dma_wait3A_137 : memref<1x16x1024xf32, #tpu.memory_space<hbm>> -> memref<16x1024xf32, #tpu.memory_space<hbm>>
    %dma_wait3A_139 = arith.constant 0 : i32
    %dma_wait3A_140 = arith.constant 0 : i32
    %dma_wait3A_141 = tpu.memref_slice %arg4[%dma_wait3A_139, %dma_wait3A_140] : memref<48x1024xf32, #tpu.memory_space<vmem>> -> memref<16x1024xf32, #tpu.memory_space<vmem>>
    tpu.wait_dma2 semaphore(%arg8 : memref<!tpu.dma_semaphore, #tpu.memory_space<semaphore_mem>>) src(%dma_wait3A_141 : memref<16x1024xf32, #tpu.memory_space<vmem>>) dst(%dma_wait3A_138 : memref<16x1024xf32, #tpu.memory_space<hbm>>)
    %dma_wait3A_142 = arith.constant 1 : i32
    %dma_wait3A_143 = arith.constant 0 : i32
    %dma_wait3A_144 = arith.constant 0 : i32
    %dma_wait3A_145 = tpu.memref_slice %arg4[%dma_wait3A_143, %dma_wait3A_144] : memref<48x1024xf32, #tpu.memory_space<vmem>> -> memref<16x1024xf32, #tpu.memory_space<vmem>>
    %dma_wait3A_146 = arith.constant 0 : i32
    %dma_wait3A_147 = tpu.memref_slice %arg3[%dma_wait3A_142, %add3A_39, %dma_wait3A_146] : memref<4x8192x1024xf32, #tpu.memory_space<hbm>> -> memref<1x16x1024xf32, #tpu.memory_space<hbm>>
    %dma_wait3A_148 = tpu.memref_squeeze %dma_wait3A_147 : memref<1x16x1024xf32, #tpu.memory_space<hbm>> -> memref<16x1024xf32, #tpu.memory_space<hbm>>
    %dma_wait3A_149 = arith.constant 0 : i32
    %dma_wait3A_150 = tpu.memref_slice %arg3[%dma_wait3A_142, %add3A_39, %dma_wait3A_149] : memref<4x8192x1024xf32, #tpu.memory_space<hbm>> -> memref<1x16x1024xf32, #tpu.memory_space<hbm>>
    %dma_wait3A_151 = tpu.memref_squeeze %dma_wait3A_150 : memref<1x16x1024xf32, #tpu.memory_space<hbm>> -> memref<16x1024xf32, #tpu.memory_space<hbm>>
    %dma_wait3A_152 = arith.constant 0 : i32
    %dma_wait3A_153 = arith.constant 0 : i32
    %dma_wait3A_154 = tpu.memref_slice %arg4[%dma_wait3A_152, %dma_wait3A_153] : memref<48x1024xf32, #tpu.memory_space<vmem>> -> memref<16x1024xf32, #tpu.memory_space<vmem>>
    tpu.wait_dma2 semaphore(%arg8 : memref<!tpu.dma_semaphore, #tpu.memory_space<semaphore_mem>>) src(%dma_wait3A_154 : memref<16x1024xf32, #tpu.memory_space<vmem>>) dst(%dma_wait3A_151 : memref<16x1024xf32, #tpu.memory_space<hbm>>)
    %dma_wait3A_155 = arith.constant 2 : i32
    %dma_wait3A_156 = arith.constant 0 : i32
    %dma_wait3A_157 = arith.constant 0 : i32
    %dma_wait3A_158 = tpu.memref_slice %arg4[%dma_wait3A_156, %dma_wait3A_157] : memref<48x1024xf32, #tpu.memory_space<vmem>> -> memref<16x1024xf32, #tpu.memory_space<vmem>>
    %dma_wait3A_159 = arith.constant 0 : i32
    %dma_wait3A_160 = tpu.memref_slice %arg3[%dma_wait3A_155, %add3A_54, %dma_wait3A_159] : memref<4x8192x1024xf32, #tpu.memory_space<hbm>> -> memref<1x16x1024xf32, #tpu.memory_space<hbm>>
    %dma_wait3A_161 = tpu.memref_squeeze %dma_wait3A_160 : memref<1x16x1024xf32, #tpu.memory_space<hbm>> -> memref<16x1024xf32, #tpu.memory_space<hbm>>
    %dma_wait3A_162 = arith.constant 0 : i32
    %dma_wait3A_163 = tpu.memref_slice %arg3[%dma_wait3A_155, %add3A_54, %dma_wait3A_162] : memref<4x8192x1024xf32, #tpu.memory_space<hbm>> -> memref<1x16x1024xf32, #tpu.memory_space<hbm>>
    %dma_wait3A_164 = tpu.memref_squeeze %dma_wait3A_163 : memref<1x16x1024xf32, #tpu.memory_space<hbm>> -> memref<16x1024xf32, #tpu.memory_space<hbm>>
    %dma_wait3A_165 = arith.constant 0 : i32
    %dma_wait3A_166 = arith.constant 0 : i32
    %dma_wait3A_167 = tpu.memref_slice %arg4[%dma_wait3A_165, %dma_wait3A_166] : memref<48x1024xf32, #tpu.memory_space<vmem>> -> memref<16x1024xf32, #tpu.memory_space<vmem>>
    tpu.wait_dma2 semaphore(%arg8 : memref<!tpu.dma_semaphore, #tpu.memory_space<semaphore_mem>>) src(%dma_wait3A_167 : memref<16x1024xf32, #tpu.memory_space<vmem>>) dst(%dma_wait3A_164 : memref<16x1024xf32, #tpu.memory_space<hbm>>)
    %dma_wait3A_168 = arith.constant 3 : i32
    %dma_wait3A_169 = arith.constant 0 : i32
    %dma_wait3A_170 = arith.constant 0 : i32
    %dma_wait3A_171 = tpu.memref_slice %arg4[%dma_wait3A_169, %dma_wait3A_170] : memref<48x1024xf32, #tpu.memory_space<vmem>> -> memref<16x1024xf32, #tpu.memory_space<vmem>>
    %dma_wait3A_172 = arith.constant 0 : i32
    %dma_wait3A_173 = tpu.memref_slice %arg3[%dma_wait3A_168, %add3A_69, %dma_wait3A_172] : memref<4x8192x1024xf32, #tpu.memory_space<hbm>> -> memref<1x16x1024xf32, #tpu.memory_space<hbm>>
    %dma_wait3A_174 = tpu.memref_squeeze %dma_wait3A_173 : memref<1x16x1024xf32, #tpu.memory_space<hbm>> -> memref<16x1024xf32, #tpu.memory_space<hbm>>
    %dma_wait3A_175 = arith.constant 0 : i32
    %dma_wait3A_176 = tpu.memref_slice %arg3[%dma_wait3A_168, %add3A_69, %dma_wait3A_175] : memref<4x8192x1024xf32, #tpu.memory_space<hbm>> -> memref<1x16x1024xf32, #tpu.memory_space<hbm>>
    %dma_wait3A_177 = tpu.memref_squeeze %dma_wait3A_176 : memref<1x16x1024xf32, #tpu.memory_space<hbm>> -> memref<16x1024xf32, #tpu.memory_space<hbm>>
    %dma_wait3A_178 = arith.constant 0 : i32
    %dma_wait3A_179 = arith.constant 0 : i32
    %dma_wait3A_180 = tpu.memref_slice %arg4[%dma_wait3A_178, %dma_wait3A_179] : memref<48x1024xf32, #tpu.memory_space<vmem>> -> memref<16x1024xf32, #tpu.memory_space<vmem>>
    tpu.wait_dma2 semaphore(%arg8 : memref<!tpu.dma_semaphore, #tpu.memory_space<semaphore_mem>>) src(%dma_wait3A_180 : memref<16x1024xf32, #tpu.memory_space<vmem>>) dst(%dma_wait3A_177 : memref<16x1024xf32, #tpu.memory_space<hbm>>)
    %add3A_181 = arith.constant 64 : i32
    %add3A_182 = arith.addi %mul3A_2, %add3A_181 : i32
    %dma_start3A_183 = arith.constant 0 : i32
    %dma_start3A_184 = tpu.memref_slice %arg2[%add3A_182, %dma_start3A_183] : memref<8192x1024xf32, #tpu.memory_space<hbm>> -> memref<48x1024xf32, #tpu.memory_space<hbm>>
    %dma_start3A_185 = arith.constant 0 : i32
    %dma_start3A_186 = tpu.memref_slice %arg2[%add3A_182, %dma_start3A_185] : memref<8192x1024xf32, #tpu.memory_space<hbm>> -> memref<48x1024xf32, #tpu.memory_space<hbm>>
    tpu.enqueue_dma source(%dma_start3A_186 : memref<48x1024xf32, #tpu.memory_space<hbm>>) target(%arg4 : memref<48x1024xf32, #tpu.memory_space<vmem>>) target_semaphore(%arg6 : memref<!tpu.dma_semaphore, #tpu.memory_space<semaphore_mem>>)
    %dma_wait3A_187 = arith.constant 0 : i32
    %dma_wait3A_188 = tpu.memref_slice %arg2[%add3A_182, %dma_wait3A_187] : memref<8192x1024xf32, #tpu.memory_space<hbm>> -> memref<48x1024xf32, #tpu.memory_space<hbm>>
    %dma_wait3A_189 = arith.constant 0 : i32
    %dma_wait3A_190 = tpu.memref_slice %arg2[%add3A_182, %dma_wait3A_189] : memref<8192x1024xf32, #tpu.memory_space<hbm>> -> memref<48x1024xf32, #tpu.memory_space<hbm>>
    tpu.wait_dma2 semaphore(%arg6 : memref<!tpu.dma_semaphore, #tpu.memory_space<semaphore_mem>>) src(%dma_wait3A_190 : memref<48x1024xf32, #tpu.memory_space<hbm>>) dst(%arg4 : memref<48x1024xf32, #tpu.memory_space<vmem>>)
    %add3A_191 = arith.constant 64 : i32
    %add3A_192 = arith.addi %mul3A_2, %add3A_191 : i32
    %dma_start3A_193 = arith.constant 0 : i32
    %dma_start3A_194 = arith.constant 0 : i32
    %dma_start3A_195 = tpu.memref_slice %arg3[%dma_start3A_193, %add3A_192, %dma_start3A_194] : memref<4x8192x1024xf32, #tpu.memory_space<hbm>> -> memref<1x48x1024xf32, #tpu.memory_space<hbm>>
    %dma_start3A_196 = tpu.memref_squeeze %dma_start3A_195 : memref<1x48x1024xf32, #tpu.memory_space<hbm>> -> memref<48x1024xf32, #tpu.memory_space<hbm>>
    %dma_start3A_197 = arith.constant 0 : i32
    %dma_start3A_198 = tpu.memref_slice %arg3[%dma_start3A_193, %add3A_192, %dma_start3A_197] : memref<4x8192x1024xf32, #tpu.memory_space<hbm>> -> memref<1x48x1024xf32, #tpu.memory_space<hbm>>
    %dma_start3A_199 = tpu.memref_squeeze %dma_start3A_198 : memref<1x48x1024xf32, #tpu.memory_space<hbm>> -> memref<48x1024xf32, #tpu.memory_space<hbm>>
    tpu.enqueue_dma source(%arg4 : memref<48x1024xf32, #tpu.memory_space<vmem>>) target(%dma_start3A_199 : memref<48x1024xf32, #tpu.memory_space<hbm>>) target_semaphore(%arg8 : memref<!tpu.dma_semaphore, #tpu.memory_space<semaphore_mem>>)
    %add3A_200 = arith.constant 64 : i32
    %add3A_201 = arith.addi %mul3A_2, %add3A_200 : i32
    %dma_start3A_202 = arith.constant 1 : i32
    %dma_start3A_203 = arith.constant 0 : i32
    %dma_start3A_204 = tpu.memref_slice %arg3[%dma_start3A_202, %add3A_201, %dma_start3A_203] : memref<4x8192x1024xf32, #tpu.memory_space<hbm>> -> memref<1x48x1024xf32, #tpu.memory_space<hbm>>
    %dma_start3A_205 = tpu.memref_squeeze %dma_start3A_204 : memref<1x48x1024xf32, #tpu.memory_space<hbm>> -> memref<48x1024xf32, #tpu.memory_space<hbm>>
    %dma_start3A_206 = arith.constant 0 : i32
    %dma_start3A_207 = tpu.memref_slice %arg3[%dma_start3A_202, %add3A_201, %dma_start3A_206] : memref<4x8192x1024xf32, #tpu.memory_space<hbm>> -> memref<1x48x1024xf32, #tpu.memory_space<hbm>>
    %dma_start3A_208 = tpu.memref_squeeze %dma_start3A_207 : memref<1x48x1024xf32, #tpu.memory_space<hbm>> -> memref<48x1024xf32, #tpu.memory_space<hbm>>
    tpu.enqueue_dma source(%arg4 : memref<48x1024xf32, #tpu.memory_space<vmem>>) target(%dma_start3A_208 : memref<48x1024xf32, #tpu.memory_space<hbm>>) target_semaphore(%arg8 : memref<!tpu.dma_semaphore, #tpu.memory_space<semaphore_mem>>)
    %add3A_209 = arith.constant 64 : i32
    %add3A_210 = arith.addi %mul3A_2, %add3A_209 : i32
    %dma_start3A_211 = arith.constant 2 : i32
    %dma_start3A_212 = arith.constant 0 : i32
    %dma_start3A_213 = tpu.memref_slice %arg3[%dma_start3A_211, %add3A_210, %dma_start3A_212] : memref<4x8192x1024xf32, #tpu.memory_space<hbm>> -> memref<1x48x1024xf32, #tpu.memory_space<hbm>>
    %dma_start3A_214 = tpu.memref_squeeze %dma_start3A_213 : memref<1x48x1024xf32, #tpu.memory_space<hbm>> -> memref<48x1024xf32, #tpu.memory_space<hbm>>
    %dma_start3A_215 = arith.constant 0 : i32
    %dma_start3A_216 = tpu.memref_slice %arg3[%dma_start3A_211, %add3A_210, %dma_start3A_215] : memref<4x8192x1024xf32, #tpu.memory_space<hbm>> -> memref<1x48x1024xf32, #tpu.memory_space<hbm>>
    %dma_start3A_217 = tpu.memref_squeeze %dma_start3A_216 : memref<1x48x1024xf32, #tpu.memory_space<hbm>> -> memref<48x1024xf32, #tpu.memory_space<hbm>>
    tpu.enqueue_dma source(%arg4 : memref<48x1024xf32, #tpu.memory_space<vmem>>) target(%dma_start3A_217 : memref<48x1024xf32, #tpu.memory_space<hbm>>) target_semaphore(%arg8 : memref<!tpu.dma_semaphore, #tpu.memory_space<semaphore_mem>>)
    %add3A_218 = arith.constant 64 : i32
    %add3A_219 = arith.addi %mul3A_2, %add3A_218 : i32
    %dma_start3A_220 = arith.constant 3 : i32
    %dma_start3A_221 = arith.constant 0 : i32
    %dma_start3A_222 = tpu.memref_slice %arg3[%dma_start3A_220, %add3A_219, %dma_start3A_221] : memref<4x8192x1024xf32, #tpu.memory_space<hbm>> -> memref<1x48x1024xf32, #tpu.memory_space<hbm>>
    %dma_start3A_223 = tpu.memref_squeeze %dma_start3A_222 : memref<1x48x1024xf32, #tpu.memory_space<hbm>> -> memref<48x1024xf32, #tpu.memory_space<hbm>>
    %dma_start3A_224 = arith.constant 0 : i32
    %dma_start3A_225 = tpu.memref_slice %arg3[%dma_start3A_220, %add3A_219, %dma_start3A_224] : memref<4x8192x1024xf32, #tpu.memory_space<hbm>> -> memref<1x48x1024xf32, #tpu.memory_space<hbm>>
    %dma_start3A_226 = tpu.memref_squeeze %dma_start3A_225 : memref<1x48x1024xf32, #tpu.memory_space<hbm>> -> memref<48x1024xf32, #tpu.memory_space<hbm>>
    tpu.enqueue_dma source(%arg4 : memref<48x1024xf32, #tpu.memory_space<vmem>>) target(%dma_start3A_226 : memref<48x1024xf32, #tpu.memory_space<hbm>>) target_semaphore(%arg8 : memref<!tpu.dma_semaphore, #tpu.memory_space<semaphore_mem>>)
    %dma_wait3A_227 = arith.constant 0 : i32
    %dma_wait3A_228 = arith.constant 0 : i32
    %dma_wait3A_229 = tpu.memref_slice %arg3[%dma_wait3A_227, %add3A_94, %dma_wait3A_228] : memref<4x8192x1024xf32, #tpu.memory_space<hbm>> -> memref<1x48x1024xf32, #tpu.memory_space<hbm>>
    %dma_wait3A_230 = tpu.memref_squeeze %dma_wait3A_229 : memref<1x48x1024xf32, #tpu.memory_space<hbm>> -> memref<48x1024xf32, #tpu.memory_space<hbm>>
    %dma_wait3A_231 = arith.constant 0 : i32
    %dma_wait3A_232 = tpu.memref_slice %arg3[%dma_wait3A_227, %add3A_94, %dma_wait3A_231] : memref<4x8192x1024xf32, #tpu.memory_space<hbm>> -> memref<1x48x1024xf32, #tpu.memory_space<hbm>>
    %dma_wait3A_233 = tpu.memref_squeeze %dma_wait3A_232 : memref<1x48x1024xf32, #tpu.memory_space<hbm>> -> memref<48x1024xf32, #tpu.memory_space<hbm>>
    tpu.wait_dma2 semaphore(%arg9 : memref<!tpu.dma_semaphore, #tpu.memory_space<semaphore_mem>>) src(%arg5 : memref<48x1024xf32, #tpu.memory_space<vmem>>) dst(%dma_wait3A_233 : memref<48x1024xf32, #tpu.memory_space<hbm>>)
    %dma_wait3A_234 = arith.constant 1 : i32
    %dma_wait3A_235 = arith.constant 0 : i32
    %dma_wait3A_236 = tpu.memref_slice %arg3[%dma_wait3A_234, %add3A_103, %dma_wait3A_235] : memref<4x8192x1024xf32, #tpu.memory_space<hbm>> -> memref<1x48x1024xf32, #tpu.memory_space<hbm>>
    %dma_wait3A_237 = tpu.memref_squeeze %dma_wait3A_236 : memref<1x48x1024xf32, #tpu.memory_space<hbm>> -> memref<48x1024xf32, #tpu.memory_space<hbm>>
    %dma_wait3A_238 = arith.constant 0 : i32
    %dma_wait3A_239 = tpu.memref_slice %arg3[%dma_wait3A_234, %add3A_103, %dma_wait3A_238] : memref<4x8192x1024xf32, #tpu.memory_space<hbm>> -> memref<1x48x1024xf32, #tpu.memory_space<hbm>>
    %dma_wait3A_240 = tpu.memref_squeeze %dma_wait3A_239 : memref<1x48x1024xf32, #tpu.memory_space<hbm>> -> memref<48x1024xf32, #tpu.memory_space<hbm>>
    tpu.wait_dma2 semaphore(%arg9 : memref<!tpu.dma_semaphore, #tpu.memory_space<semaphore_mem>>) src(%arg5 : memref<48x1024xf32, #tpu.memory_space<vmem>>) dst(%dma_wait3A_240 : memref<48x1024xf32, #tpu.memory_space<hbm>>)
    %dma_wait3A_241 = arith.constant 2 : i32
    %dma_wait3A_242 = arith.constant 0 : i32
    %dma_wait3A_243 = tpu.memref_slice %arg3[%dma_wait3A_241, %add3A_112, %dma_wait3A_242] : memref<4x8192x1024xf32, #tpu.memory_space<hbm>> -> memref<1x48x1024xf32, #tpu.memory_space<hbm>>
    %dma_wait3A_244 = tpu.memref_squeeze %dma_wait3A_243 : memref<1x48x1024xf32, #tpu.memory_space<hbm>> -> memref<48x1024xf32, #tpu.memory_space<hbm>>
    %dma_wait3A_245 = arith.constant 0 : i32
    %dma_wait3A_246 = tpu.memref_slice %arg3[%dma_wait3A_241, %add3A_112, %dma_wait3A_245] : memref<4x8192x1024xf32, #tpu.memory_space<hbm>> -> memref<1x48x1024xf32, #tpu.memory_space<hbm>>
    %dma_wait3A_247 = tpu.memref_squeeze %dma_wait3A_246 : memref<1x48x1024xf32, #tpu.memory_space<hbm>> -> memref<48x1024xf32, #tpu.memory_space<hbm>>
    tpu.wait_dma2 semaphore(%arg9 : memref<!tpu.dma_semaphore, #tpu.memory_space<semaphore_mem>>) src(%arg5 : memref<48x1024xf32, #tpu.memory_space<vmem>>) dst(%dma_wait3A_247 : memref<48x1024xf32, #tpu.memory_space<hbm>>)
    %dma_wait3A_248 = arith.constant 3 : i32
    %dma_wait3A_249 = arith.constant 0 : i32
    %dma_wait3A_250 = tpu.memref_slice %arg3[%dma_wait3A_248, %add3A_121, %dma_wait3A_249] : memref<4x8192x1024xf32, #tpu.memory_space<hbm>> -> memref<1x48x1024xf32, #tpu.memory_space<hbm>>
    %dma_wait3A_251 = tpu.memref_squeeze %dma_wait3A_250 : memref<1x48x1024xf32, #tpu.memory_space<hbm>> -> memref<48x1024xf32, #tpu.memory_space<hbm>>
    %dma_wait3A_252 = arith.constant 0 : i32
    %dma_wait3A_253 = tpu.memref_slice %arg3[%dma_wait3A_248, %add3A_121, %dma_wait3A_252] : memref<4x8192x1024xf32, #tpu.memory_space<hbm>> -> memref<1x48x1024xf32, #tpu.memory_space<hbm>>
    %dma_wait3A_254 = tpu.memref_squeeze %dma_wait3A_253 : memref<1x48x1024xf32, #tpu.memory_space<hbm>> -> memref<48x1024xf32, #tpu.memory_space<hbm>>
    tpu.wait_dma2 semaphore(%arg9 : memref<!tpu.dma_semaphore, #tpu.memory_space<semaphore_mem>>) src(%arg5 : memref<48x1024xf32, #tpu.memory_space<vmem>>) dst(%dma_wait3A_254 : memref<48x1024xf32, #tpu.memory_space<hbm>>)
    %add3A_255 = arith.constant 112 : i32
    %add3A_256 = arith.addi %mul3A_2, %add3A_255 : i32
    %dma_start3A_257 = arith.constant 0 : i32
    %dma_start3A_258 = tpu.memref_slice %arg2[%add3A_256, %dma_start3A_257] : memref<8192x1024xf32, #tpu.memory_space<hbm>> -> memref<48x1024xf32, #tpu.memory_space<hbm>>
    %dma_start3A_259 = arith.constant 0 : i32
    %dma_start3A_260 = tpu.memref_slice %arg2[%add3A_256, %dma_start3A_259] : memref<8192x1024xf32, #tpu.memory_space<hbm>> -> memref<48x1024xf32, #tpu.memory_space<hbm>>
    tpu.enqueue_dma source(%dma_start3A_260 : memref<48x1024xf32, #tpu.memory_space<hbm>>) target(%arg5 : memref<48x1024xf32, #tpu.memory_space<vmem>>) target_semaphore(%arg7 : memref<!tpu.dma_semaphore, #tpu.memory_space<semaphore_mem>>)
    %dma_wait3A_261 = arith.constant 0 : i32
    %dma_wait3A_262 = tpu.memref_slice %arg2[%add3A_256, %dma_wait3A_261] : memref<8192x1024xf32, #tpu.memory_space<hbm>> -> memref<48x1024xf32, #tpu.memory_space<hbm>>
    %dma_wait3A_263 = arith.constant 0 : i32
    %dma_wait3A_264 = tpu.memref_slice %arg2[%add3A_256, %dma_wait3A_263] : memref<8192x1024xf32, #tpu.memory_space<hbm>> -> memref<48x1024xf32, #tpu.memory_space<hbm>>
    tpu.wait_dma2 semaphore(%arg7 : memref<!tpu.dma_semaphore, #tpu.memory_space<semaphore_mem>>) src(%dma_wait3A_264 : memref<48x1024xf32, #tpu.memory_space<hbm>>) dst(%arg5 : memref<48x1024xf32, #tpu.memory_space<vmem>>)
    %add3A_265 = arith.constant 112 : i32
    %add3A_266 = arith.addi %mul3A_2, %add3A_265 : i32
    %dma_start3A_267 = arith.constant 0 : i32
    %dma_start3A_268 = arith.constant 0 : i32
    %dma_start3A_269 = tpu.memref_slice %arg3[%dma_start3A_267, %add3A_266, %dma_start3A_268] : memref<4x8192x1024xf32, #tpu.memory_space<hbm>> -> memref<1x48x1024xf32, #tpu.memory_space<hbm>>
    %dma_start3A_270 = tpu.memref_squeeze %dma_start3A_269 : memref<1x48x1024xf32, #tpu.memory_space<hbm>> -> memref<48x1024xf32, #tpu.memory_space<hbm>>
    %dma_start3A_271 = arith.constant 0 : i32
    %dma_start3A_272 = tpu.memref_slice %arg3[%dma_start3A_267, %add3A_266, %dma_start3A_271] : memref<4x8192x1024xf32, #tpu.memory_space<hbm>> -> memref<1x48x1024xf32, #tpu.memory_space<hbm>>
    %dma_start3A_273 = tpu.memref_squeeze %dma_start3A_272 : memref<1x48x1024xf32, #tpu.memory_space<hbm>> -> memref<48x1024xf32, #tpu.memory_space<hbm>>
    tpu.enqueue_dma source(%arg5 : memref<48x1024xf32, #tpu.memory_space<vmem>>) target(%dma_start3A_273 : memref<48x1024xf32, #tpu.memory_space<hbm>>) target_semaphore(%arg9 : memref<!tpu.dma_semaphore, #tpu.memory_space<semaphore_mem>>)
    %add3A_274 = arith.constant 112 : i32
    %add3A_275 = arith.addi %mul3A_2, %add3A_274 : i32
    %dma_start3A_276 = arith.constant 1 : i32
    %dma_start3A_277 = arith.constant 0 : i32
    %dma_start3A_278 = tpu.memref_slice %arg3[%dma_start3A_276, %add3A_275, %dma_start3A_277] : memref<4x8192x1024xf32, #tpu.memory_space<hbm>> -> memref<1x48x1024xf32, #tpu.memory_space<hbm>>
    %dma_start3A_279 = tpu.memref_squeeze %dma_start3A_278 : memref<1x48x1024xf32, #tpu.memory_space<hbm>> -> memref<48x1024xf32, #tpu.memory_space<hbm>>
    %dma_start3A_280 = arith.constant 0 : i32
    %dma_start3A_281 = tpu.memref_slice %arg3[%dma_start3A_276, %add3A_275, %dma_start3A_280] : memref<4x8192x1024xf32, #tpu.memory_space<hbm>> -> memref<1x48x1024xf32, #tpu.memory_space<hbm>>
    %dma_start3A_282 = tpu.memref_squeeze %dma_start3A_281 : memref<1x48x1024xf32, #tpu.memory_space<hbm>> -> memref<48x1024xf32, #tpu.memory_space<hbm>>
    tpu.enqueue_dma source(%arg5 : memref<48x1024xf32, #tpu.memory_space<vmem>>) target(%dma_start3A_282 : memref<48x1024xf32, #tpu.memory_space<hbm>>) target_semaphore(%arg9 : memref<!tpu.dma_semaphore, #tpu.memory_space<semaphore_mem>>)
    %add3A_283 = arith.constant 112 : i32
    %add3A_284 = arith.addi %mul3A_2, %add3A_283 : i32
    %dma_start3A_285 = arith.constant 2 : i32
    %dma_start3A_286 = arith.constant 0 : i32
    %dma_start3A_287 = tpu.memref_slice %arg3[%dma_start3A_285, %add3A_284, %dma_start3A_286] : memref<4x8192x1024xf32, #tpu.memory_space<hbm>> -> memref<1x48x1024xf32, #tpu.memory_space<hbm>>
    %dma_start3A_288 = tpu.memref_squeeze %dma_start3A_287 : memref<1x48x1024xf32, #tpu.memory_space<hbm>> -> memref<48x1024xf32, #tpu.memory_space<hbm>>
    %dma_start3A_289 = arith.constant 0 : i32
    %dma_start3A_290 = tpu.memref_slice %arg3[%dma_start3A_285, %add3A_284, %dma_start3A_289] : memref<4x8192x1024xf32, #tpu.memory_space<hbm>> -> memref<1x48x1024xf32, #tpu.memory_space<hbm>>
    %dma_start3A_291 = tpu.memref_squeeze %dma_start3A_290 : memref<1x48x1024xf32, #tpu.memory_space<hbm>> -> memref<48x1024xf32, #tpu.memory_space<hbm>>
    tpu.enqueue_dma source(%arg5 : memref<48x1024xf32, #tpu.memory_space<vmem>>) target(%dma_start3A_291 : memref<48x1024xf32, #tpu.memory_space<hbm>>) target_semaphore(%arg9 : memref<!tpu.dma_semaphore, #tpu.memory_space<semaphore_mem>>)
    %add3A_292 = arith.constant 112 : i32
    %add3A_293 = arith.addi %mul3A_2, %add3A_292 : i32
    %dma_start3A_294 = arith.constant 3 : i32
    %dma_start3A_295 = arith.constant 0 : i32
    %dma_start3A_296 = tpu.memref_slice %arg3[%dma_start3A_294, %add3A_293, %dma_start3A_295] : memref<4x8192x1024xf32, #tpu.memory_space<hbm>> -> memref<1x48x1024xf32, #tpu.memory_space<hbm>>
    %dma_start3A_297 = tpu.memref_squeeze %dma_start3A_296 : memref<1x48x1024xf32, #tpu.memory_space<hbm>> -> memref<48x1024xf32, #tpu.memory_space<hbm>>
    %dma_start3A_298 = arith.constant 0 : i32
    %dma_start3A_299 = tpu.memref_slice %arg3[%dma_start3A_294, %add3A_293, %dma_start3A_298] : memref<4x8192x1024xf32, #tpu.memory_space<hbm>> -> memref<1x48x1024xf32, #tpu.memory_space<hbm>>
    %dma_start3A_300 = tpu.memref_squeeze %dma_start3A_299 : memref<1x48x1024xf32, #tpu.memory_space<hbm>> -> memref<48x1024xf32, #tpu.memory_space<hbm>>
    tpu.enqueue_dma source(%arg5 : memref<48x1024xf32, #tpu.memory_space<vmem>>) target(%dma_start3A_300 : memref<48x1024xf32, #tpu.memory_space<hbm>>) target_semaphore(%arg9 : memref<!tpu.dma_semaphore, #tpu.memory_space<semaphore_mem>>)
    %dma_wait3A_301 = arith.constant 0 : i32
    %dma_wait3A_302 = arith.constant 0 : i32
    %dma_wait3A_303 = tpu.memref_slice %arg3[%dma_wait3A_301, %add3A_192, %dma_wait3A_302] : memref<4x8192x1024xf32, #tpu.memory_space<hbm>> -> memref<1x48x1024xf32, #tpu.memory_space<hbm>>
    %dma_wait3A_304 = tpu.memref_squeeze %dma_wait3A_303 : memref<1x48x1024xf32, #tpu.memory_space<hbm>> -> memref<48x1024xf32, #tpu.memory_space<hbm>>
    %dma_wait3A_305 = arith.constant 0 : i32
    %dma_wait3A_306 = tpu.memref_slice %arg3[%dma_wait3A_301, %add3A_192, %dma_wait3A_305] : memref<4x8192x1024xf32, #tpu.memory_space<hbm>> -> memref<1x48x1024xf32, #tpu.memory_space<hbm>>
    %dma_wait3A_307 = tpu.memref_squeeze %dma_wait3A_306 : memref<1x48x1024xf32, #tpu.memory_space<hbm>> -> memref<48x1024xf32, #tpu.memory_space<hbm>>
    tpu.wait_dma2 semaphore(%arg8 : memref<!tpu.dma_semaphore, #tpu.memory_space<semaphore_mem>>) src(%arg4 : memref<48x1024xf32, #tpu.memory_space<vmem>>) dst(%dma_wait3A_307 : memref<48x1024xf32, #tpu.memory_space<hbm>>)
    %dma_wait3A_308 = arith.constant 1 : i32
    %dma_wait3A_309 = arith.constant 0 : i32
    %dma_wait3A_310 = tpu.memref_slice %arg3[%dma_wait3A_308, %add3A_201, %dma_wait3A_309] : memref<4x8192x1024xf32, #tpu.memory_space<hbm>> -> memref<1x48x1024xf32, #tpu.memory_space<hbm>>
    %dma_wait3A_311 = tpu.memref_squeeze %dma_wait3A_310 : memref<1x48x1024xf32, #tpu.memory_space<hbm>> -> memref<48x1024xf32, #tpu.memory_space<hbm>>
    %dma_wait3A_312 = arith.constant 0 : i32
    %dma_wait3A_313 = tpu.memref_slice %arg3[%dma_wait3A_308, %add3A_201, %dma_wait3A_312] : memref<4x8192x1024xf32, #tpu.memory_space<hbm>> -> memref<1x48x1024xf32, #tpu.memory_space<hbm>>
    %dma_wait3A_314 = tpu.memref_squeeze %dma_wait3A_313 : memref<1x48x1024xf32, #tpu.memory_space<hbm>> -> memref<48x1024xf32, #tpu.memory_space<hbm>>
    tpu.wait_dma2 semaphore(%arg8 : memref<!tpu.dma_semaphore, #tpu.memory_space<semaphore_mem>>) src(%arg4 : memref<48x1024xf32, #tpu.memory_space<vmem>>) dst(%dma_wait3A_314 : memref<48x1024xf32, #tpu.memory_space<hbm>>)
    %dma_wait3A_315 = arith.constant 2 : i32
    %dma_wait3A_316 = arith.constant 0 : i32
    %dma_wait3A_317 = tpu.memref_slice %arg3[%dma_wait3A_315, %add3A_210, %dma_wait3A_316] : memref<4x8192x1024xf32, #tpu.memory_space<hbm>> -> memref<1x48x1024xf32, #tpu.memory_space<hbm>>
    %dma_wait3A_318 = tpu.memref_squeeze %dma_wait3A_317 : memref<1x48x1024xf32, #tpu.memory_space<hbm>> -> memref<48x1024xf32, #tpu.memory_space<hbm>>
    %dma_wait3A_319 = arith.constant 0 : i32
    %dma_wait3A_320 = tpu.memref_slice %arg3[%dma_wait3A_315, %add3A_210, %dma_wait3A_319] : memref<4x8192x1024xf32, #tpu.memory_space<hbm>> -> memref<1x48x1024xf32, #tpu.memory_space<hbm>>
    %dma_wait3A_321 = tpu.memref_squeeze %dma_wait3A_320 : memref<1x48x1024xf32, #tpu.memory_space<hbm>> -> memref<48x1024xf32, #tpu.memory_space<hbm>>
    tpu.wait_dma2 semaphore(%arg8 : memref<!tpu.dma_semaphore, #tpu.memory_space<semaphore_mem>>) src(%arg4 : memref<48x1024xf32, #tpu.memory_space<vmem>>) dst(%dma_wait3A_321 : memref<48x1024xf32, #tpu.memory_space<hbm>>)
    %dma_wait3A_322 = arith.constant 3 : i32
    %dma_wait3A_323 = arith.constant 0 : i32
    %dma_wait3A_324 = tpu.memref_slice %arg3[%dma_wait3A_322, %add3A_219, %dma_wait3A_323] : memref<4x8192x1024xf32, #tpu.memory_space<hbm>> -> memref<1x48x1024xf32, #tpu.memory_space<hbm>>
    %dma_wait3A_325 = tpu.memref_squeeze %dma_wait3A_324 : memref<1x48x1024xf32, #tpu.memory_space<hbm>> -> memref<48x1024xf32, #tpu.memory_space<hbm>>
    %dma_wait3A_326 = arith.constant 0 : i32
    %dma_wait3A_327 = tpu.memref_slice %arg3[%dma_wait3A_322, %add3A_219, %dma_wait3A_326] : memref<4x8192x1024xf32, #tpu.memory_space<hbm>> -> memref<1x48x1024xf32, #tpu.memory_space<hbm>>
    %dma_wait3A_328 = tpu.memref_squeeze %dma_wait3A_327 : memref<1x48x1024xf32, #tpu.memory_space<hbm>> -> memref<48x1024xf32, #tpu.memory_space<hbm>>
    tpu.wait_dma2 semaphore(%arg8 : memref<!tpu.dma_semaphore, #tpu.memory_space<semaphore_mem>>) src(%arg4 : memref<48x1024xf32, #tpu.memory_space<vmem>>) dst(%dma_wait3A_328 : memref<48x1024xf32, #tpu.memory_space<hbm>>)
    %add3A_329 = arith.constant 160 : i32
    %add3A_330 = arith.addi %mul3A_2, %add3A_329 : i32
    %dma_start3A_331 = arith.constant 0 : i32
    %dma_start3A_332 = tpu.memref_slice %arg2[%add3A_330, %dma_start3A_331] : memref<8192x1024xf32, #tpu.memory_space<hbm>> -> memref<48x1024xf32, #tpu.memory_space<hbm>>
    %dma_start3A_333 = arith.constant 0 : i32
    %dma_start3A_334 = tpu.memref_slice %arg2[%add3A_330, %dma_start3A_333] : memref<8192x1024xf32, #tpu.memory_space<hbm>> -> memref<48x1024xf32, #tpu.memory_space<hbm>>
    tpu.enqueue_dma source(%dma_start3A_334 : memref<48x1024xf32, #tpu.memory_space<hbm>>) target(%arg4 : memref<48x1024xf32, #tpu.memory_space<vmem>>) target_semaphore(%arg6 : memref<!tpu.dma_semaphore, #tpu.memory_space<semaphore_mem>>)
    %dma_wait3A_335 = arith.constant 0 : i32
    %dma_wait3A_336 = tpu.memref_slice %arg2[%add3A_330, %dma_wait3A_335] : memref<8192x1024xf32, #tpu.memory_space<hbm>> -> memref<48x1024xf32, #tpu.memory_space<hbm>>
    %dma_wait3A_337 = arith.constant 0 : i32
    %dma_wait3A_338 = tpu.memref_slice %arg2[%add3A_330, %dma_wait3A_337] : memref<8192x1024xf32, #tpu.memory_space<hbm>> -> memref<48x1024xf32, #tpu.memory_space<hbm>>
    tpu.wait_dma2 semaphore(%arg6 : memref<!tpu.dma_semaphore, #tpu.memory_space<semaphore_mem>>) src(%dma_wait3A_338 : memref<48x1024xf32, #tpu.memory_space<hbm>>) dst(%arg4 : memref<48x1024xf32, #tpu.memory_space<vmem>>)
    %add3A_339 = arith.constant 160 : i32
    %add3A_340 = arith.addi %mul3A_2, %add3A_339 : i32
    %dma_start3A_341 = arith.constant 0 : i32
    %dma_start3A_342 = arith.constant 0 : i32
    %dma_start3A_343 = tpu.memref_slice %arg3[%dma_start3A_341, %add3A_340, %dma_start3A_342] : memref<4x8192x1024xf32, #tpu.memory_space<hbm>> -> memref<1x48x1024xf32, #tpu.memory_space<hbm>>
    %dma_start3A_344 = tpu.memref_squeeze %dma_start3A_343 : memref<1x48x1024xf32, #tpu.memory_space<hbm>> -> memref<48x1024xf32, #tpu.memory_space<hbm>>
    %dma_start3A_345 = arith.constant 0 : i32
    %dma_start3A_346 = tpu.memref_slice %arg3[%dma_start3A_341, %add3A_340, %dma_start3A_345] : memref<4x8192x1024xf32, #tpu.memory_space<hbm>> -> memref<1x48x1024xf32, #tpu.memory_space<hbm>>
    %dma_start3A_347 = tpu.memref_squeeze %dma_start3A_346 : memref<1x48x1024xf32, #tpu.memory_space<hbm>> -> memref<48x1024xf32, #tpu.memory_space<hbm>>
    tpu.enqueue_dma source(%arg4 : memref<48x1024xf32, #tpu.memory_space<vmem>>) target(%dma_start3A_347 : memref<48x1024xf32, #tpu.memory_space<hbm>>) target_semaphore(%arg8 : memref<!tpu.dma_semaphore, #tpu.memory_space<semaphore_mem>>)
    %add3A_348 = arith.constant 160 : i32
    %add3A_349 = arith.addi %mul3A_2, %add3A_348 : i32
    %dma_start3A_350 = arith.constant 1 : i32
    %dma_start3A_351 = arith.constant 0 : i32
    %dma_start3A_352 = tpu.memref_slice %arg3[%dma_start3A_350, %add3A_349, %dma_start3A_351] : memref<4x8192x1024xf32, #tpu.memory_space<hbm>> -> memref<1x48x1024xf32, #tpu.memory_space<hbm>>
    %dma_start3A_353 = tpu.memref_squeeze %dma_start3A_352 : memref<1x48x1024xf32, #tpu.memory_space<hbm>> -> memref<48x1024xf32, #tpu.memory_space<hbm>>
    %dma_start3A_354 = arith.constant 0 : i32
    %dma_start3A_355 = tpu.memref_slice %arg3[%dma_start3A_350, %add3A_349, %dma_start3A_354] : memref<4x8192x1024xf32, #tpu.memory_space<hbm>> -> memref<1x48x1024xf32, #tpu.memory_space<hbm>>
    %dma_start3A_356 = tpu.memref_squeeze %dma_start3A_355 : memref<1x48x1024xf32, #tpu.memory_space<hbm>> -> memref<48x1024xf32, #tpu.memory_space<hbm>>
    tpu.enqueue_dma source(%arg4 : memref<48x1024xf32, #tpu.memory_space<vmem>>) target(%dma_start3A_356 : memref<48x1024xf32, #tpu.memory_space<hbm>>) target_semaphore(%arg8 : memref<!tpu.dma_semaphore, #tpu.memory_space<semaphore_mem>>)
    %add3A_357 = arith.constant 160 : i32
    %add3A_358 = arith.addi %mul3A_2, %add3A_357 : i32
    %dma_start3A_359 = arith.constant 2 : i32
    %dma_start3A_360 = arith.constant 0 : i32
    %dma_start3A_361 = tpu.memref_slice %arg3[%dma_start3A_359, %add3A_358, %dma_start3A_360] : memref<4x8192x1024xf32, #tpu.memory_space<hbm>> -> memref<1x48x1024xf32, #tpu.memory_space<hbm>>
    %dma_start3A_362 = tpu.memref_squeeze %dma_start3A_361 : memref<1x48x1024xf32, #tpu.memory_space<hbm>> -> memref<48x1024xf32, #tpu.memory_space<hbm>>
    %dma_start3A_363 = arith.constant 0 : i32
    %dma_start3A_364 = tpu.memref_slice %arg3[%dma_start3A_359, %add3A_358, %dma_start3A_363] : memref<4x8192x1024xf32, #tpu.memory_space<hbm>> -> memref<1x48x1024xf32, #tpu.memory_space<hbm>>
    %dma_start3A_365 = tpu.memref_squeeze %dma_start3A_364 : memref<1x48x1024xf32, #tpu.memory_space<hbm>> -> memref<48x1024xf32, #tpu.memory_space<hbm>>
    tpu.enqueue_dma source(%arg4 : memref<48x1024xf32, #tpu.memory_space<vmem>>) target(%dma_start3A_365 : memref<48x1024xf32, #tpu.memory_space<hbm>>) target_semaphore(%arg8 : memref<!tpu.dma_semaphore, #tpu.memory_space<semaphore_mem>>)
    %add3A_366 = arith.constant 160 : i32
    %add3A_367 = arith.addi %mul3A_2, %add3A_366 : i32
    %dma_start3A_368 = arith.constant 3 : i32
    %dma_start3A_369 = arith.constant 0 : i32
    %dma_start3A_370 = tpu.memref_slice %arg3[%dma_start3A_368, %add3A_367, %dma_start3A_369] : memref<4x8192x1024xf32, #tpu.memory_space<hbm>> -> memref<1x48x1024xf32, #tpu.memory_space<hbm>>
    %dma_start3A_371 = tpu.memref_squeeze %dma_start3A_370 : memref<1x48x1024xf32, #tpu.memory_space<hbm>> -> memref<48x1024xf32, #tpu.memory_space<hbm>>
    %dma_start3A_372 = arith.constant 0 : i32
    %dma_start3A_373 = tpu.memref_slice %arg3[%dma_start3A_368, %add3A_367, %dma_start3A_372] : memref<4x8192x1024xf32, #tpu.memory_space<hbm>> -> memref<1x48x1024xf32, #tpu.memory_space<hbm>>
    %dma_start3A_374 = tpu.memref_squeeze %dma_start3A_373 : memref<1x48x1024xf32, #tpu.memory_space<hbm>> -> memref<48x1024xf32, #tpu.memory_space<hbm>>
    tpu.enqueue_dma source(%arg4 : memref<48x1024xf32, #tpu.memory_space<vmem>>) target(%dma_start3A_374 : memref<48x1024xf32, #tpu.memory_space<hbm>>) target_semaphore(%arg8 : memref<!tpu.dma_semaphore, #tpu.memory_space<semaphore_mem>>)
    %dma_wait3A_375 = arith.constant 0 : i32
    %dma_wait3A_376 = arith.constant 0 : i32
    %dma_wait3A_377 = tpu.memref_slice %arg3[%dma_wait3A_375, %add3A_266, %dma_wait3A_376] : memref<4x8192x1024xf32, #tpu.memory_space<hbm>> -> memref<1x48x1024xf32, #tpu.memory_space<hbm>>
    %dma_wait3A_378 = tpu.memref_squeeze %dma_wait3A_377 : memref<1x48x1024xf32, #tpu.memory_space<hbm>> -> memref<48x1024xf32, #tpu.memory_space<hbm>>
    %dma_wait3A_379 = arith.constant 0 : i32
    %dma_wait3A_380 = tpu.memref_slice %arg3[%dma_wait3A_375, %add3A_266, %dma_wait3A_379] : memref<4x8192x1024xf32, #tpu.memory_space<hbm>> -> memref<1x48x1024xf32, #tpu.memory_space<hbm>>
    %dma_wait3A_381 = tpu.memref_squeeze %dma_wait3A_380 : memref<1x48x1024xf32, #tpu.memory_space<hbm>> -> memref<48x1024xf32, #tpu.memory_space<hbm>>
    tpu.wait_dma2 semaphore(%arg9 : memref<!tpu.dma_semaphore, #tpu.memory_space<semaphore_mem>>) src(%arg5 : memref<48x1024xf32, #tpu.memory_space<vmem>>) dst(%dma_wait3A_381 : memref<48x1024xf32, #tpu.memory_space<hbm>>)
    %dma_wait3A_382 = arith.constant 1 : i32
    %dma_wait3A_383 = arith.constant 0 : i32
    %dma_wait3A_384 = tpu.memref_slice %arg3[%dma_wait3A_382, %add3A_275, %dma_wait3A_383] : memref<4x8192x1024xf32, #tpu.memory_space<hbm>> -> memref<1x48x1024xf32, #tpu.memory_space<hbm>>
    %dma_wait3A_385 = tpu.memref_squeeze %dma_wait3A_384 : memref<1x48x1024xf32, #tpu.memory_space<hbm>> -> memref<48x1024xf32, #tpu.memory_space<hbm>>
    %dma_wait3A_386 = arith.constant 0 : i32
    %dma_wait3A_387 = tpu.memref_slice %arg3[%dma_wait3A_382, %add3A_275, %dma_wait3A_386] : memref<4x8192x1024xf32, #tpu.memory_space<hbm>> -> memref<1x48x1024xf32, #tpu.memory_space<hbm>>
    %dma_wait3A_388 = tpu.memref_squeeze %dma_wait3A_387 : memref<1x48x1024xf32, #tpu.memory_space<hbm>> -> memref<48x1024xf32, #tpu.memory_space<hbm>>
    tpu.wait_dma2 semaphore(%arg9 : memref<!tpu.dma_semaphore, #tpu.memory_space<semaphore_mem>>) src(%arg5 : memref<48x1024xf32, #tpu.memory_space<vmem>>) dst(%dma_wait3A_388 : memref<48x1024xf32, #tpu.memory_space<hbm>>)
    %dma_wait3A_389 = arith.constant 2 : i32
    %dma_wait3A_390 = arith.constant 0 : i32
    %dma_wait3A_391 = tpu.memref_slice %arg3[%dma_wait3A_389, %add3A_284, %dma_wait3A_390] : memref<4x8192x1024xf32, #tpu.memory_space<hbm>> -> memref<1x48x1024xf32, #tpu.memory_space<hbm>>
    %dma_wait3A_392 = tpu.memref_squeeze %dma_wait3A_391 : memref<1x48x1024xf32, #tpu.memory_space<hbm>> -> memref<48x1024xf32, #tpu.memory_space<hbm>>
    %dma_wait3A_393 = arith.constant 0 : i32
    %dma_wait3A_394 = tpu.memref_slice %arg3[%dma_wait3A_389, %add3A_284, %dma_wait3A_393] : memref<4x8192x1024xf32, #tpu.memory_space<hbm>> -> memref<1x48x1024xf32, #tpu.memory_space<hbm>>
    %dma_wait3A_395 = tpu.memref_squeeze %dma_wait3A_394 : memref<1x48x1024xf32, #tpu.memory_space<hbm>> -> memref<48x1024xf32, #tpu.memory_space<hbm>>
    tpu.wait_dma2 semaphore(%arg9 : memref<!tpu.dma_semaphore, #tpu.memory_space<semaphore_mem>>) src(%arg5 : memref<48x1024xf32, #tpu.memory_space<vmem>>) dst(%dma_wait3A_395 : memref<48x1024xf32, #tpu.memory_space<hbm>>)
    %dma_wait3A_396 = arith.constant 3 : i32
    %dma_wait3A_397 = arith.constant 0 : i32
    %dma_wait3A_398 = tpu.memref_slice %arg3[%dma_wait3A_396, %add3A_293, %dma_wait3A_397] : memref<4x8192x1024xf32, #tpu.memory_space<hbm>> -> memref<1x48x1024xf32, #tpu.memory_space<hbm>>
    %dma_wait3A_399 = tpu.memref_squeeze %dma_wait3A_398 : memref<1x48x1024xf32, #tpu.memory_space<hbm>> -> memref<48x1024xf32, #tpu.memory_space<hbm>>
    %dma_wait3A_400 = arith.constant 0 : i32
    %dma_wait3A_401 = tpu.memref_slice %arg3[%dma_wait3A_396, %add3A_293, %dma_wait3A_400] : memref<4x8192x1024xf32, #tpu.memory_space<hbm>> -> memref<1x48x1024xf32, #tpu.memory_space<hbm>>
    %dma_wait3A_402 = tpu.memref_squeeze %dma_wait3A_401 : memref<1x48x1024xf32, #tpu.memory_space<hbm>> -> memref<48x1024xf32, #tpu.memory_space<hbm>>
    tpu.wait_dma2 semaphore(%arg9 : memref<!tpu.dma_semaphore, #tpu.memory_space<semaphore_mem>>) src(%arg5 : memref<48x1024xf32, #tpu.memory_space<vmem>>) dst(%dma_wait3A_402 : memref<48x1024xf32, #tpu.memory_space<hbm>>)
    %add3A_403 = arith.constant 208 : i32
    %add3A_404 = arith.addi %mul3A_2, %add3A_403 : i32
    %dma_start3A_405 = arith.constant 0 : i32
    %dma_start3A_406 = tpu.memref_slice %arg2[%add3A_404, %dma_start3A_405] : memref<8192x1024xf32, #tpu.memory_space<hbm>> -> memref<48x1024xf32, #tpu.memory_space<hbm>>
    %dma_start3A_407 = arith.constant 0 : i32
    %dma_start3A_408 = tpu.memref_slice %arg2[%add3A_404, %dma_start3A_407] : memref<8192x1024xf32, #tpu.memory_space<hbm>> -> memref<48x1024xf32, #tpu.memory_space<hbm>>
    tpu.enqueue_dma source(%dma_start3A_408 : memref<48x1024xf32, #tpu.memory_space<hbm>>) target(%arg5 : memref<48x1024xf32, #tpu.memory_space<vmem>>) target_semaphore(%arg7 : memref<!tpu.dma_semaphore, #tpu.memory_space<semaphore_mem>>)
    %dma_wait3A_409 = arith.constant 0 : i32
    %dma_wait3A_410 = tpu.memref_slice %arg2[%add3A_404, %dma_wait3A_409] : memref<8192x1024xf32, #tpu.memory_space<hbm>> -> memref<48x1024xf32, #tpu.memory_space<hbm>>
    %dma_wait3A_411 = arith.constant 0 : i32
    %dma_wait3A_412 = tpu.memref_slice %arg2[%add3A_404, %dma_wait3A_411] : memref<8192x1024xf32, #tpu.memory_space<hbm>> -> memref<48x1024xf32, #tpu.memory_space<hbm>>
    tpu.wait_dma2 semaphore(%arg7 : memref<!tpu.dma_semaphore, #tpu.memory_space<semaphore_mem>>) src(%dma_wait3A_412 : memref<48x1024xf32, #tpu.memory_space<hbm>>) dst(%arg5 : memref<48x1024xf32, #tpu.memory_space<vmem>>)
    %add3A_413 = arith.constant 208 : i32
    %add3A_414 = arith.addi %mul3A_2, %add3A_413 : i32
    %dma_start3A_415 = arith.constant 0 : i32
    %dma_start3A_416 = arith.constant 0 : i32
    %dma_start3A_417 = tpu.memref_slice %arg3[%dma_start3A_415, %add3A_414, %dma_start3A_416] : memref<4x8192x1024xf32, #tpu.memory_space<hbm>> -> memref<1x48x1024xf32, #tpu.memory_space<hbm>>
    %dma_start3A_418 = tpu.memref_squeeze %dma_start3A_417 : memref<1x48x1024xf32, #tpu.memory_space<hbm>> -> memref<48x1024xf32, #tpu.memory_space<hbm>>
    %dma_start3A_419 = arith.constant 0 : i32
    %dma_start3A_420 = tpu.memref_slice %arg3[%dma_start3A_415, %add3A_414, %dma_start3A_419] : memref<4x8192x1024xf32, #tpu.memory_space<hbm>> -> memref<1x48x1024xf32, #tpu.memory_space<hbm>>
    %dma_start3A_421 = tpu.memref_squeeze %dma_start3A_420 : memref<1x48x1024xf32, #tpu.memory_space<hbm>> -> memref<48x1024xf32, #tpu.memory_space<hbm>>
    tpu.enqueue_dma source(%arg5 : memref<48x1024xf32, #tpu.memory_space<vmem>>) target(%dma_start3A_421 : memref<48x1024xf32, #tpu.memory_space<hbm>>) target_semaphore(%arg9 : memref<!tpu.dma_semaphore, #tpu.memory_space<semaphore_mem>>)
    %add3A_422 = arith.constant 208 : i32
    %add3A_423 = arith.addi %mul3A_2, %add3A_422 : i32
    %dma_start3A_424 = arith.constant 1 : i32
    %dma_start3A_425 = arith.constant 0 : i32
    %dma_start3A_426 = tpu.memref_slice %arg3[%dma_start3A_424, %add3A_423, %dma_start3A_425] : memref<4x8192x1024xf32, #tpu.memory_space<hbm>> -> memref<1x48x1024xf32, #tpu.memory_space<hbm>>
    %dma_start3A_427 = tpu.memref_squeeze %dma_start3A_426 : memref<1x48x1024xf32, #tpu.memory_space<hbm>> -> memref<48x1024xf32, #tpu.memory_space<hbm>>
    %dma_start3A_428 = arith.constant 0 : i32
    %dma_start3A_429 = tpu.memref_slice %arg3[%dma_start3A_424, %add3A_423, %dma_start3A_428] : memref<4x8192x1024xf32, #tpu.memory_space<hbm>> -> memref<1x48x1024xf32, #tpu.memory_space<hbm>>
    %dma_start3A_430 = tpu.memref_squeeze %dma_start3A_429 : memref<1x48x1024xf32, #tpu.memory_space<hbm>> -> memref<48x1024xf32, #tpu.memory_space<hbm>>
    tpu.enqueue_dma source(%arg5 : memref<48x1024xf32, #tpu.memory_space<vmem>>) target(%dma_start3A_430 : memref<48x1024xf32, #tpu.memory_space<hbm>>) target_semaphore(%arg9 : memref<!tpu.dma_semaphore, #tpu.memory_space<semaphore_mem>>)
    %add3A_431 = arith.constant 208 : i32
    %add3A_432 = arith.addi %mul3A_2, %add3A_431 : i32
    %dma_start3A_433 = arith.constant 2 : i32
    %dma_start3A_434 = arith.constant 0 : i32
    %dma_start3A_435 = tpu.memref_slice %arg3[%dma_start3A_433, %add3A_432, %dma_start3A_434] : memref<4x8192x1024xf32, #tpu.memory_space<hbm>> -> memref<1x48x1024xf32, #tpu.memory_space<hbm>>
    %dma_start3A_436 = tpu.memref_squeeze %dma_start3A_435 : memref<1x48x1024xf32, #tpu.memory_space<hbm>> -> memref<48x1024xf32, #tpu.memory_space<hbm>>
    %dma_start3A_437 = arith.constant 0 : i32
    %dma_start3A_438 = tpu.memref_slice %arg3[%dma_start3A_433, %add3A_432, %dma_start3A_437] : memref<4x8192x1024xf32, #tpu.memory_space<hbm>> -> memref<1x48x1024xf32, #tpu.memory_space<hbm>>
    %dma_start3A_439 = tpu.memref_squeeze %dma_start3A_438 : memref<1x48x1024xf32, #tpu.memory_space<hbm>> -> memref<48x1024xf32, #tpu.memory_space<hbm>>
    tpu.enqueue_dma source(%arg5 : memref<48x1024xf32, #tpu.memory_space<vmem>>) target(%dma_start3A_439 : memref<48x1024xf32, #tpu.memory_space<hbm>>) target_semaphore(%arg9 : memref<!tpu.dma_semaphore, #tpu.memory_space<semaphore_mem>>)
    %add3A_440 = arith.constant 208 : i32
    %add3A_441 = arith.addi %mul3A_2, %add3A_440 : i32
    %dma_start3A_442 = arith.constant 3 : i32
    %dma_start3A_443 = arith.constant 0 : i32
    %dma_start3A_444 = tpu.memref_slice %arg3[%dma_start3A_442, %add3A_441, %dma_start3A_443] : memref<4x8192x1024xf32, #tpu.memory_space<hbm>> -> memref<1x48x1024xf32, #tpu.memory_space<hbm>>
    %dma_start3A_445 = tpu.memref_squeeze %dma_start3A_444 : memref<1x48x1024xf32, #tpu.memory_space<hbm>> -> memref<48x1024xf32, #tpu.memory_space<hbm>>
    %dma_start3A_446 = arith.constant 0 : i32
    %dma_start3A_447 = tpu.memref_slice %arg3[%dma_start3A_442, %add3A_441, %dma_start3A_446] : memref<4x8192x1024xf32, #tpu.memory_space<hbm>> -> memref<1x48x1024xf32, #tpu.memory_space<hbm>>
    %dma_start3A_448 = tpu.memref_squeeze %dma_start3A_447 : memref<1x48x1024xf32, #tpu.memory_space<hbm>> -> memref<48x1024xf32, #tpu.memory_space<hbm>>
    tpu.enqueue_dma source(%arg5 : memref<48x1024xf32, #tpu.memory_space<vmem>>) target(%dma_start3A_448 : memref<48x1024xf32, #tpu.memory_space<hbm>>) target_semaphore(%arg9 : memref<!tpu.dma_semaphore, #tpu.memory_space<semaphore_mem>>)
    %dma_wait3A_449 = arith.constant 0 : i32
    %dma_wait3A_450 = arith.constant 0 : i32
    %dma_wait3A_451 = tpu.memref_slice %arg3[%dma_wait3A_449, %add3A_340, %dma_wait3A_450] : memref<4x8192x1024xf32, #tpu.memory_space<hbm>> -> memref<1x48x1024xf32, #tpu.memory_space<hbm>>
    %dma_wait3A_452 = tpu.memref_squeeze %dma_wait3A_451 : memref<1x48x1024xf32, #tpu.memory_space<hbm>> -> memref<48x1024xf32, #tpu.memory_space<hbm>>
    %dma_wait3A_453 = arith.constant 0 : i32
    %dma_wait3A_454 = tpu.memref_slice %arg3[%dma_wait3A_449, %add3A_340, %dma_wait3A_453] : memref<4x8192x1024xf32, #tpu.memory_space<hbm>> -> memref<1x48x1024xf32, #tpu.memory_space<hbm>>
    %dma_wait3A_455 = tpu.memref_squeeze %dma_wait3A_454 : memref<1x48x1024xf32, #tpu.memory_space<hbm>> -> memref<48x1024xf32, #tpu.memory_space<hbm>>
    tpu.wait_dma2 semaphore(%arg8 : memref<!tpu.dma_semaphore, #tpu.memory_space<semaphore_mem>>) src(%arg4 : memref<48x1024xf32, #tpu.memory_space<vmem>>) dst(%dma_wait3A_455 : memref<48x1024xf32, #tpu.memory_space<hbm>>)
    %dma_wait3A_456 = arith.constant 1 : i32
    %dma_wait3A_457 = arith.constant 0 : i32
    %dma_wait3A_458 = tpu.memref_slice %arg3[%dma_wait3A_456, %add3A_349, %dma_wait3A_457] : memref<4x8192x1024xf32, #tpu.memory_space<hbm>> -> memref<1x48x1024xf32, #tpu.memory_space<hbm>>
    %dma_wait3A_459 = tpu.memref_squeeze %dma_wait3A_458 : memref<1x48x1024xf32, #tpu.memory_space<hbm>> -> memref<48x1024xf32, #tpu.memory_space<hbm>>
    %dma_wait3A_460 = arith.constant 0 : i32
    %dma_wait3A_461 = tpu.memref_slice %arg3[%dma_wait3A_456, %add3A_349, %dma_wait3A_460] : memref<4x8192x1024xf32, #tpu.memory_space<hbm>> -> memref<1x48x1024xf32, #tpu.memory_space<hbm>>
    %dma_wait3A_462 = tpu.memref_squeeze %dma_wait3A_461 : memref<1x48x1024xf32, #tpu.memory_space<hbm>> -> memref<48x1024xf32, #tpu.memory_space<hbm>>
    tpu.wait_dma2 semaphore(%arg8 : memref<!tpu.dma_semaphore, #tpu.memory_space<semaphore_mem>>) src(%arg4 : memref<48x1024xf32, #tpu.memory_space<vmem>>) dst(%dma_wait3A_462 : memref<48x1024xf32, #tpu.memory_space<hbm>>)
    %dma_wait3A_463 = arith.constant 2 : i32
    %dma_wait3A_464 = arith.constant 0 : i32
    %dma_wait3A_465 = tpu.memref_slice %arg3[%dma_wait3A_463, %add3A_358, %dma_wait3A_464] : memref<4x8192x1024xf32, #tpu.memory_space<hbm>> -> memref<1x48x1024xf32, #tpu.memory_space<hbm>>
    %dma_wait3A_466 = tpu.memref_squeeze %dma_wait3A_465 : memref<1x48x1024xf32, #tpu.memory_space<hbm>> -> memref<48x1024xf32, #tpu.memory_space<hbm>>
    %dma_wait3A_467 = arith.constant 0 : i32
    %dma_wait3A_468 = tpu.memref_slice %arg3[%dma_wait3A_463, %add3A_358, %dma_wait3A_467] : memref<4x8192x1024xf32, #tpu.memory_space<hbm>> -> memref<1x48x1024xf32, #tpu.memory_space<hbm>>
    %dma_wait3A_469 = tpu.memref_squeeze %dma_wait3A_468 : memref<1x48x1024xf32, #tpu.memory_space<hbm>> -> memref<48x1024xf32, #tpu.memory_space<hbm>>
    tpu.wait_dma2 semaphore(%arg8 : memref<!tpu.dma_semaphore, #tpu.memory_space<semaphore_mem>>) src(%arg4 : memref<48x1024xf32, #tpu.memory_space<vmem>>) dst(%dma_wait3A_469 : memref<48x1024xf32, #tpu.memory_space<hbm>>)
    %dma_wait3A_470 = arith.constant 3 : i32
    %dma_wait3A_471 = arith.constant 0 : i32
    %dma_wait3A_472 = tpu.memref_slice %arg3[%dma_wait3A_470, %add3A_367, %dma_wait3A_471] : memref<4x8192x1024xf32, #tpu.memory_space<hbm>> -> memref<1x48x1024xf32, #tpu.memory_space<hbm>>
    %dma_wait3A_473 = tpu.memref_squeeze %dma_wait3A_472 : memref<1x48x1024xf32, #tpu.memory_space<hbm>> -> memref<48x1024xf32, #tpu.memory_space<hbm>>
    %dma_wait3A_474 = arith.constant 0 : i32
    %dma_wait3A_475 = tpu.memref_slice %arg3[%dma_wait3A_470, %add3A_367, %dma_wait3A_474] : memref<4x8192x1024xf32, #tpu.memory_space<hbm>> -> memref<1x48x1024xf32, #tpu.memory_space<hbm>>
    %dma_wait3A_476 = tpu.memref_squeeze %dma_wait3A_475 : memref<1x48x1024xf32, #tpu.memory_space<hbm>> -> memref<48x1024xf32, #tpu.memory_space<hbm>>
    tpu.wait_dma2 semaphore(%arg8 : memref<!tpu.dma_semaphore, #tpu.memory_space<semaphore_mem>>) src(%arg4 : memref<48x1024xf32, #tpu.memory_space<vmem>>) dst(%dma_wait3A_476 : memref<48x1024xf32, #tpu.memory_space<hbm>>)
    %dma_wait3A_477 = arith.constant 0 : i32
    %dma_wait3A_478 = arith.constant 0 : i32
    %dma_wait3A_479 = tpu.memref_slice %arg3[%dma_wait3A_477, %add3A_414, %dma_wait3A_478] : memref<4x8192x1024xf32, #tpu.memory_space<hbm>> -> memref<1x48x1024xf32, #tpu.memory_space<hbm>>
    %dma_wait3A_480 = tpu.memref_squeeze %dma_wait3A_479 : memref<1x48x1024xf32, #tpu.memory_space<hbm>> -> memref<48x1024xf32, #tpu.memory_space<hbm>>
    %dma_wait3A_481 = arith.constant 0 : i32
    %dma_wait3A_482 = tpu.memref_slice %arg3[%dma_wait3A_477, %add3A_414, %dma_wait3A_481] : memref<4x8192x1024xf32, #tpu.memory_space<hbm>> -> memref<1x48x1024xf32, #tpu.memory_space<hbm>>
    %dma_wait3A_483 = tpu.memref_squeeze %dma_wait3A_482 : memref<1x48x1024xf32, #tpu.memory_space<hbm>> -> memref<48x1024xf32, #tpu.memory_space<hbm>>
    tpu.wait_dma2 semaphore(%arg9 : memref<!tpu.dma_semaphore, #tpu.memory_space<semaphore_mem>>) src(%arg5 : memref<48x1024xf32, #tpu.memory_space<vmem>>) dst(%dma_wait3A_483 : memref<48x1024xf32, #tpu.memory_space<hbm>>)
    %dma_wait3A_484 = arith.constant 1 : i32
    %dma_wait3A_485 = arith.constant 0 : i32
    %dma_wait3A_486 = tpu.memref_slice %arg3[%dma_wait3A_484, %add3A_423, %dma_wait3A_485] : memref<4x8192x1024xf32, #tpu.memory_space<hbm>> -> memref<1x48x1024xf32, #tpu.memory_space<hbm>>
    %dma_wait3A_487 = tpu.memref_squeeze %dma_wait3A_486 : memref<1x48x1024xf32, #tpu.memory_space<hbm>> -> memref<48x1024xf32, #tpu.memory_space<hbm>>
    %dma_wait3A_488 = arith.constant 0 : i32
    %dma_wait3A_489 = tpu.memref_slice %arg3[%dma_wait3A_484, %add3A_423, %dma_wait3A_488] : memref<4x8192x1024xf32, #tpu.memory_space<hbm>> -> memref<1x48x1024xf32, #tpu.memory_space<hbm>>
    %dma_wait3A_490 = tpu.memref_squeeze %dma_wait3A_489 : memref<1x48x1024xf32, #tpu.memory_space<hbm>> -> memref<48x1024xf32, #tpu.memory_space<hbm>>
    tpu.wait_dma2 semaphore(%arg9 : memref<!tpu.dma_semaphore, #tpu.memory_space<semaphore_mem>>) src(%arg5 : memref<48x1024xf32, #tpu.memory_space<vmem>>) dst(%dma_wait3A_490 : memref<48x1024xf32, #tpu.memory_space<hbm>>)
    %dma_wait3A_491 = arith.constant 2 : i32
    %dma_wait3A_492 = arith.constant 0 : i32
    %dma_wait3A_493 = tpu.memref_slice %arg3[%dma_wait3A_491, %add3A_432, %dma_wait3A_492] : memref<4x8192x1024xf32, #tpu.memory_space<hbm>> -> memref<1x48x1024xf32, #tpu.memory_space<hbm>>
    %dma_wait3A_494 = tpu.memref_squeeze %dma_wait3A_493 : memref<1x48x1024xf32, #tpu.memory_space<hbm>> -> memref<48x1024xf32, #tpu.memory_space<hbm>>
    %dma_wait3A_495 = arith.constant 0 : i32
    %dma_wait3A_496 = tpu.memref_slice %arg3[%dma_wait3A_491, %add3A_432, %dma_wait3A_495] : memref<4x8192x1024xf32, #tpu.memory_space<hbm>> -> memref<1x48x1024xf32, #tpu.memory_space<hbm>>
    %dma_wait3A_497 = tpu.memref_squeeze %dma_wait3A_496 : memref<1x48x1024xf32, #tpu.memory_space<hbm>> -> memref<48x1024xf32, #tpu.memory_space<hbm>>
    tpu.wait_dma2 semaphore(%arg9 : memref<!tpu.dma_semaphore, #tpu.memory_space<semaphore_mem>>) src(%arg5 : memref<48x1024xf32, #tpu.memory_space<vmem>>) dst(%dma_wait3A_497 : memref<48x1024xf32, #tpu.memory_space<hbm>>)
    %dma_wait3A_498 = arith.constant 3 : i32
    %dma_wait3A_499 = arith.constant 0 : i32
    %dma_wait3A_500 = tpu.memref_slice %arg3[%dma_wait3A_498, %add3A_441, %dma_wait3A_499] : memref<4x8192x1024xf32, #tpu.memory_space<hbm>> -> memref<1x48x1024xf32, #tpu.memory_space<hbm>>
    %dma_wait3A_501 = tpu.memref_squeeze %dma_wait3A_500 : memref<1x48x1024xf32, #tpu.memory_space<hbm>> -> memref<48x1024xf32, #tpu.memory_space<hbm>>
    %dma_wait3A_502 = arith.constant 0 : i32
    %dma_wait3A_503 = tpu.memref_slice %arg3[%dma_wait3A_498, %add3A_441, %dma_wait3A_502] : memref<4x8192x1024xf32, #tpu.memory_space<hbm>> -> memref<1x48x1024xf32, #tpu.memory_space<hbm>>
    %dma_wait3A_504 = tpu.memref_squeeze %dma_wait3A_503 : memref<1x48x1024xf32, #tpu.memory_space<hbm>> -> memref<48x1024xf32, #tpu.memory_space<hbm>>
    tpu.wait_dma2 semaphore(%arg9 : memref<!tpu.dma_semaphore, #tpu.memory_space<semaphore_mem>>) src(%arg5 : memref<48x1024xf32, #tpu.memory_space<vmem>>) dst(%dma_wait3A_504 : memref<48x1024xf32, #tpu.memory_space<hbm>>)
    return
  }
}

</mosaic_0001>

<sc_bundles>
// kernel: kernel.3.cloned.1.call-start
scs
__scs_entry_jumppad:
0x0: {  	(pc) =	sbr.rel $0x88, $3  }
0x1: {  	(tag) =	ssettag $0x0;
	lr =	simm.s32 $0x1  }
0x2: {  	[smem:$0x3FA0] =	sst lr;
	_ =	strace $0xD0000000  }
0x3: {  	_ = 	snop  }
0x4: {  	_ = 	snop  }
0x5: {  	_ = 	snop  }
0x6: {  	_ = 	snop  }
0x7: {  	_ = 	snop  }
__scs_overlays_trampoline_lowered:
0x8: {  	[smem:$0x3FAF] =	sst s0  }
0x9: {  	[smem:$0x3FB0] =	sst s1  }
0xa: {  	[smem:$0x3FB1] =	sst s2  }
0xb: {  	[smem:$0x3FB2] =	sst s3  }
0xc: {  	[smem:$0x3FB3] =	sst s4  }
0xd: {  	[smem:$0x3FB4] =	sst s5  }
0xe: {  	[smem:$0x3FB5] =	sst s6  }
0xf: {  	[smem:$0x3FB6] =	sst s7  }
0x10: {  	[smem:$0x3FB7] =	sst s8  }
0x11: {  	[smem:$0x3FB8] =	sst s9;
	s0 =	simm.s32 @!p0 $0x0  }
0x12: {  	s1 =	sld [smem:$0x3F9E];
	s0 =	simm.s32 @p0 $0x1  }
0x13: {  	[smem:$0x3FB9] =	sst s0;
	s0 =	simm.s32 @!p1 $0x0  }
0x14: {  	s2 =	sld [smem:$0x3F9D];
	s0 =	simm.s32 @p1 $0x1  }
0x15: {  	[smem:$0x3FBA] =	sst s0;
	s0 =	simm.s32 @!p2 $0x0  }
0x16: {  	s3 =	sld [smem:$0x3FDB];
	s0 =	simm.s32 @p2 $0x1  }
0x17: {  	s4 =	simm.s32 $0x1BF5;
	[smem:$0x3FBC] =	sst s0  }
0x18: {  	s0 =	sld [smem:$0x3F9F];
	_ =	swait.ge [sflag:s4], $0x0  }
0x19: {  	s7 =	sld [smem:$0x3FA0]  }
0x1a: {  	s8 =	sadd.s32 $0xFFFFE003, lr  }
0x1b: {  	s9 =	sadd.s32 $0xFFFFFEF7, lr;
	s5 =	simm.s32 $0xFFFFFFFF;
	p2 =	slt.u32 s8, $0xFFFFF086  }
0x1c: {  	p1 =	slt.u32 s9, $0xF7A;
	s5 =	simm.s32 @!p2 $0x0  }
0x1d: {  	s5 =	simm.s32 @p1 $0x1;
	p0 =	seq.s32 s7, s2  }
0x1e: {  	s7 =	smul.u32 @!p0 $0xF7A, s2;
	p2 =	seq.s32 @!p0 s5, $0x0  }
0x1f: {  	s9 =	smul.u32 $0xF7A, s1;
	s8 =	simm.s32 @!p0 $0x1BF5;
	p2 =	por !p2, p0  }
0x20: {  	[sflag:s8] =	ssyncset.s32 @!p0 $0xFFFFF086;
	s6 =	sadd.s32 @!p0 s3, s7;
	s7 =	simm.s32 @!p0 $0x108  }
0x21: {  	s3 =	sadd.s32 s3, s9;
	s6 =	sadd.s32 @!p0 $0x88, s6;
	s7 =	simm.s32 @p2 $0x1082  }
0x22: {  	[simem:s7], [sflag:s8] =	dma.local @!p0 [hbm:s6], $0xF7A  }
0x23: {  	s9 =	sor.u32 $0xD0000000, s2;
	s6 =	simm.s32 $0x108;
	_ =	swait.ge @!p0 [sflag:s8], $0x0  }
0x24: {  	s3 =	sadd.s32 $0x88, s3;
	s6 =	simm.s32 @!p1 $0x1082;
	[sflag:s4] =	ssyncset.s32 $0xFFFFF086  }
0x25: {  	[simem:s6], [sflag:s4] =	dma.local [hbm:s3], $0xF7A  }
0x26: {  	[smem:$0x3FA0] =	sst s1;
	(tag) =	ssettag s2;
	_ =	strace s9  }
0x27: {  	s1 =	sld [smem:$0x3FB0]  }
0x28: {  	s2 =	sld [smem:$0x3FB1]  }
0x29: {  	s4 =	sld [smem:$0x3FB3]  }
0x2a: {  	p0 =	seq.s32 s5, $0x0;
	s5 =	sld [smem:$0x3FB4]  }
0x2b: {  	s6 =	sld [smem:$0x3FB5]  }
0x2c: {  	s7 =	sld [smem:$0x3FB6]  }
0x2d: {  	s3 =	simm.s32 $0x108;
	s8 =	sld [smem:$0x3FB7]  }
0x2e: {  	s3 =	simm.s32 @!p0 $0x1082;
	s9 =	sld [smem:$0x3FB8]  }
0x2f: {  	lr =	sadd.s32 s0, s3;
	s0 =	sld [smem:$0x3FAF]  }
0x30: {  	s3 =	sld [smem:$0x3FB2]  }
0x31: {  	[smem:$0x3FBB] =	sst s10  }
0x32: {  	s10 =	sld [smem:$0x3FB9];
	_ =	sdelay $0x3  }
0x33: {  	p0 =	seq.s32 s10, $0x1;
	s10 =	sld [smem:$0x3FBB];
	_ =	sdelay $0x3  }
0x34: {  	[smem:$0x3FBB] =	sst s10  }
0x35: {  	s10 =	sld [smem:$0x3FBA];
	_ =	sdelay $0x3  }
0x36: {  	p1 =	seq.s32 s10, $0x1;
	s10 =	sld [smem:$0x3FBB];
	_ =	sdelay $0x3  }
0x37: {  	[smem:$0x3FBB] =	sst s10  }
0x38: {  	s10 =	sld [smem:$0x3FBC]  }
0x39: {  	_ = 	snop;
	(pc) =	sbr.ind lr, $3  }
0x3a: {  	_ = 	snop  }
0x3b: {  	_ = 	snop  }
0x3c: {  	p2 =	seq.s32 s10, $0x1;
	s10 =	sld [smem:$0x3FBB]  }
0x3d: {  	_ =	shalt  }
0x3e: {  	_ =	shalt  }
0x3f: {  	_ =	shalt  }
0x40: {  	_ =	shalt  }
0x41: {  	_ =	shalt  }
0x42: {  	_ =	shalt  }
0x43: {  	_ =	shalt  }
0x44: {  	_ =	shalt  }
0x45: {  	_ =	shalt  }
0x46: {  	_ =	shalt  }
0x47: {  	_ =	shalt  }
0x48: {  	_ =	shalt  }
0x49: {  	_ =	shalt  }
0x4a: {  	_ =	shalt  }
0x4b: {  	_ =	shalt  }
0x4c: {  	_ =	shalt  }
0x4d: {  	_ =	shalt  }
0x4e: {  	_ =	shalt  }
0x4f: {  	_ =	shalt  }
0x50: {  	_ =	shalt  }
0x51: {  	_ =	shalt  }
0x52: {  	_ =	shalt  }
0x53: {  	_ =	shalt  }
0x54: {  	_ =	shalt  }
0x55: {  	_ =	shalt  }
0x56: {  	_ =	shalt  }
0x57: {  	_ =	shalt  }
0x58: {  	_ =	shalt  }
0x59: {  	_ =	shalt  }
0x5a: {  	_ =	shalt  }
0x5b: {  	_ =	shalt  }
0x5c: {  	_ =	shalt  }
0x5d: {  	_ =	shalt  }
0x5e: {  	_ =	shalt  }
0x5f: {  	_ =	shalt  }
0x60: {  	_ =	shalt  }
0x61: {  	_ =	shalt  }
0x62: {  	_ =	shalt  }
0x63: {  	_ =	shalt  }
0x64: {  	_ =	shalt  }
0x65: {  	_ =	shalt  }
0x66: {  	_ =	shalt  }
0x67: {  	_ =	shalt  }
0x68: {  	_ =	shalt  }
0x69: {  	_ =	shalt  }
0x6a: {  	_ =	shalt  }
0x6b: {  	_ =	shalt  }
0x6c: {  	_ =	shalt  }
0x6d: {  	_ =	shalt  }
0x6e: {  	_ =	shalt  }
0x6f: {  	_ =	shalt  }
0x70: {  	_ =	shalt  }
0x71: {  	_ =	shalt  }
0x72: {  	_ =	shalt  }
0x73: {  	_ =	shalt  }
0x74: {  	_ =	shalt  }
0x75: {  	_ =	shalt  }
0x76: {  	_ =	shalt  }
0x77: {  	_ =	shalt  }
0x78: {  	_ =	shalt  }
0x79: {  	_ =	shalt  }
0x7a: {  	_ =	shalt  }
0x7b: {  	_ =	shalt  }
0x7c: {  	_ =	shalt  }
0x7d: {  	_ =	shalt  }
0x7e: {  	_ =	shalt  }
0x7f: {  	_ =	shalt  }
0x80: {  	_ =	shalt  }
0x81: {  	_ =	shalt  }
0x82: {  	_ =	shalt  }
0x83: {  	_ =	shalt  }
0x84: {  	_ =	shalt  }
0x85: {  	_ =	shalt  }
0x86: {  	_ =	shalt  }
0x87: {  	_ =	shalt  }
.Lfunc_end0:
.L_simem_size_0:
called_computation_lowered:
.L_overlay_start_0:
0x88: {  	s2 =	sld [smem:$0x3FD9]  }
0x89: {  	s3 =	sld [smem:$0x3FFE];
	_ =	sdelay $0x1  }
0x8a: {  	s1 =	srdreg.scid  }
0x8b: {  	s0 =	sand.u32 $0x1, s1  }
0x8c: {  	s18 =	sshll.u32 s0, $0xA;
	s2 =	sadd.s32 s3, s2  }
0x8d: {  	s2 =	sadd.s32 s2, s18  }
0x8e: {  	[smem:$0x3FC7] =	sst s2  }
0x8f: {  	_ = 	snop  }
0x90: {  	s2 =	sld [smem:$0x3FC9]  }
0x91: {  	s19 =	sld [smem:$0x3FD0];
	(tm) =	ssettm $0x1  }
0x92: {  	s4 =	sld [smem:$0x3FFB];
	_ =	sdelay $0x3  }
0x93: {  	_ =	strace s4  }
0x94: {  	s4 =	sld [smem:$0x3FFC];
	_ =	sdelay $0x3  }
0x95: {  	_ =	strace s4  }
0x96: {  	s4 =	sld [smem:$0x3FFD];
	_ =	sdelay $0x3  }
0x97: {  	_ =	strace s4  }
0x98: {  	_ =	strace $0x8FFFFFFF  }
0x99: {  	s20 =	sld [smem:$0x3FDB];
	_ =	sdelay $0x1  }
0x9a: {  	s5 =	simm.s32 $_scs_section_size  }
0x9b: {  	s6 =	simm.s32 $_size__tile_overlayer_lowered;
	s7 =	simm.s32 $_tile_overlayer_lowered  }
0x9c: {  	s23 =	simm.s32 $0x1BFF;
	s22 =	sshll.u32 s7, $0x1;
	s4 =	sadd.s32 s5, s20  }
0x9d: {  	s8 =	simm.s32 $0x0;
	s21 =	sshll.u32 s6, $0x1;
	s6 =	sadd.s32 s22, s4  }
0x9e: {  	[timem:s8], [sflag:s23] =	dma.local [hbm:s6], s21  }
0x9f: {  	_ =	swait.ge [sflag:s23], s21  }
0xa0: {  	s5 =	ssub.s32 $0x0, s21;
	[sflag:s23] =	ssyncset.done $0x0  }
0xa1: {  	[sflag:s23] =	ssyncadd.s32 s5;
	_ =	sdelay $0x1  }
0xa2: {  	s24 =	simm.s32 $0x1B8B  }
0xa3: {  	_ =	swait.ge [sflag:s24], $0x1  }
0xa4: {  	[sflag:s24] =	ssyncset.done $0x0  }
0xa5: {  	s25 =	simm.s32 $0x1B8E;
	[sflag:s24] =	ssyncadd.s32 $0xFFFFFFFF  }
0xa6: {  	s26 =	simm.s32 $execute0_lowered;
	[smem:$0x3FD2] =	sst s25  }
0xa7: {  	s5 =	sshll.u32 s26, $0x1;
	_ =	strace $0x80000046;
	[dreg:$0x1] =	wrdreg $0xFFFFFFFF  }
0xa8: {  	s28 =	simm.s32 $_size_execute0_lowered;
	s4 =	sadd.s32 s4, s5;
	[dreg:$0x0] =	wrdreg $0x0  }
0xa9: {  	s5 =	sshll.u32 s28, $0x1;
	[dreg:$0x2] =	wrdreg s4  }
0xaa: {  	[dreg:$0x3] =	wrdreg s5  }
0xab: {  	[dreg:$0x4] =	wrdreg $0xC0  }
0xac: {  	_ =	task [dreg:s8], $0x5FFFF  }
0xad: {  	[dreg:$0x1] =	wrdreg $0xFFFFFFFF  }
0xae: {  	[dreg:$0x0] =	wrdreg $0x60  }
0xaf: {  	[dreg:$0x2] =	wrdreg s2  }
0xb0: {  	[dreg:$0x3] =	wrdreg s19  }
0xb1: {  	[dreg:$0x4] =	wrdreg $0x9  }
0xb2: {  	_ =	task.clear_ibuf [dreg:s8], $0x5FFFF;
	_ =	strace $0x90000046  }
0xb3: {  	s29 =	simm.s32 $0x9;
	_ =	strace $0x80000048  }
0xb4: {  	_ =	swait.ge [sflag:s29], $0x1  }
0xb5: {  	[sflag:s29] =	ssyncadd.s32 $0xFFFFFFFF  }
0xb6: {  	_ =	strace $0x90000048  }
0xb7: {  	_ =	sfence  }
0xb8: {  	s30 =	sld [smem:$0x0];
	_ =	sdelay $0x2  }
0xb9: {  	s31 =	sshll.u32 s1, $0xD;
	s1 =	sshrl.u32 s1, $0x2  }
0xba: {  	s3 =	sand.u32 $0x4000, s31;
	s1 =	sadd.s32 s1, s30  }
0xbb: {  	s0 =	sor.u32 s3, s0;
	s1 =	sshll.u32 s1, $0x11  }
0xbc: {  	s0 =	sor.u32 s1, s0  }
0xbd: {  	s0 =	sadd.s32 $0x8F2B, s0  }
0xbe: {  	[sflag:s0] =	ssyncadd.remote.s32 $0x1  }
0xbf: {  	_ =	sfence.sel $0xFFFF  }
0xc0: {  	[dreg:$0x0] =	wrdreg $0xFFFFFFFF;
	(pc) =	sbr.abs _section_cstart, $3  }
0xc1: {  	[dreg:$0x1] =	wrdreg $0xFFFFFFFF  }
0xc2: {  	_ =	task.clear_ibuf [dreg:s8], $0x2FFFF;
	_ =	strace $0x9FFFFFFF  }
0xc3: {  	(tm) =	ssettm $0x7FFFFFFF  }
tec
execute0_lowered:
.L_overlay_start_1:
0x0: {  	(tag) =	ssettag $0x1  }
0x1: {  	s0 =	rddreg [dreg:$0x0]  }
0x2: {  	s1 =	rddreg [dreg:$0x1]  }
0x3: {  	s2 =	srdreg.scid;
	s4 =	stileid.u32  }
0x4: {  	p0 =	por $0x0, $0x0;
	s3 =	sand.u32 $0x1, s2;
	s2 =	simm.s32 $0x0  }
0x5: {  	s4 =	sshll.u32 s4, $0x10;
	s5 =	sshll.u32 s3, $0xF;
	[smem:$0x7FF] =	sst s2  }
0x6: {  	s3 =	ssub.s32 $0x2, s3;
	s4 =	sor.u32 s5, s4;
	_ =	strace $0x80000047  }
0x7: {  	s5 =	sadd.s32 s0, s4;
	s29 =	sadd.s32 s1, s4;
	s6 =	sor.u32 $0x800, s4  }
0x8: {  	s13 =	sor.u32 $0x2000, s4;
	s14 =	sor.u32 $0x3800, s4;
	s15 =	sor.u32 $0x5000, s4  }
0x9: {  	s4 =	sor.u32 $0x6800, s4;
	[dreg:$0x3] =	wrdreg s5;
	s7 =	sadd.s32 $0x100000, s29  }
0xa: {  	s8 =	sadd.s32 $0x200000, s29;
	s9 =	sadd.s32 $0x300000, s29;
	s10 =	sadd.s32 s0, s6  }
0xb: {  	s11 =	sadd.s32 s1, s6;
	s12 =	sadd.s32 $0x100800, s29;
	s30 =	sadd.s32 $0x200800, s29  }
0xc: {  	s31 =	sadd.s32 $0x300800, s29;
	s28 =	sadd.s32 s0, s13;
	s23 =	sadd.s32 s1, s13  }
0xd: {  	s24 =	sadd.s32 $0x102000, s29;
	s25 =	sadd.s32 $0x202000, s29;
	s26 =	sadd.s32 $0x302000, s29  }
0xe: {  	s22 =	sadd.s32 s0, s14;
	s17 =	sadd.s32 $0x103800, s29;
	s18 =	sadd.s32 $0x203800, s29  }
0xf: {  	s21 =	sadd.s32 s1, s14;
	s19 =	sadd.s32 $0x303800, s29;
	[dreg:$0x4] =	wrdreg s7  }
0x10: {  	s16 =	sadd.s32 s0, s15;
	[dreg:$0x5] =	wrdreg s8;
	s7 =	sshrl.u32 s3, $0x1  }
0x11: {  	s13 =	sadd.s32 $0x105000, s29;
	[dreg:$0x6] =	wrdreg s9;
	s3 =	ssub.s32 s3, s7  }
0x12: {  	s14 =	sadd.s32 $0x205000, s29;
	[dreg:$0x7] =	wrdreg s10;
	s20 =	smax.u32 s3, $0x1  }
0x13: {  	s5 =	sadd.s32 s1, s4;
	[dreg:$0x8] =	wrdreg s11;
	p1 =	sne.s32 s20, $0x1  }
.Ltmp0:
0x14: {  	s6 =	sadd.s32 $0x106800, s29;
	[dreg:$0x9] =	wrdreg s12;
	(pc) =	sbr.rel @!p1 .LBB2_3-.Ltmp0, $4  }
0x15: {  	s12 =	sadd.s32 s1, s15;
	s15 =	sadd.s32 $0x305000, s29;
	s8 =	sadd.s32 s0, s4  }
0x16: {  	s9 =	sadd.s32 $0x306800, s29;
	s10 =	simm.s32 $0xC000;
	s11 =	simm.s32 $0x2  }
0x17: {  	s4 =	simm.s32 $0x3;
	s1 =	rddreg [dreg:$0x3];
	s7 =	sadd.s32 $0x206800, s29  }
0x18: {  	s3 =	simm.s32 $0x4;
	s0 =	sadd.s32 $0xFFFFFFFF, s20;
	s20 =	simm.s32 $0x1  }
0x19: {  	[tilespmem:s2], [sflag:$0x1] =	stream.linear.gather [hbm4b:s1+s2], $0x4000, $0x38;
	[tilespmem:$0x18000] =	vst v63  }
0x1a: {  	_ =	swait.ge [sflag:s20], $0x4000  }
0x1b: {  	[sflag:s20] =	ssyncset.done $0x0  }
0x1c: {  	[dreg:$0xa] =	wrdreg s0;
	[sflag:s20] =	ssyncadd.s32 $0xFFFFC000  }
0x1d: {  	[hbm4b:s29+s2] =	stream.linear.scatter [tilespmem:s2], [sflag:$0x3], $0x4000, $0x38;
	[tilespmem:$0x18000] =	vst v63  }
0x1e: {  	s1 =	rddreg [dreg:$0x4]  }
0x1f: {  	[hbm4b:s1+s2] =	stream.linear.scatter [tilespmem:s2], [sflag:$0x3], $0x4000, $0x38;
	[tilespmem:$0x18000] =	vst v63  }
0x20: {  	s0 =	rddreg [dreg:$0x5]  }
0x21: {  	[hbm4b:s0+s2] =	stream.linear.scatter [tilespmem:s2], [sflag:$0x3], $0x4000, $0x38;
	[tilespmem:$0x18000] =	vst v63  }
0x22: {  	s1 =	rddreg [dreg:$0x6]  }
0x23: {  	[hbm4b:s1+s2] =	stream.linear.scatter [tilespmem:s2], [sflag:$0x3], $0x4000, $0x38;
	[tilespmem:$0x18000] =	vst v63  }
0x24: {  	s0 =	rddreg [dreg:$0x7]  }
0x25: {  	[tilespmem:s10], [sflag:$0x2] =	stream.linear.gather [hbm4b:s0+s2], $0xC000, $0x38;
	[tilespmem:$0x18000] =	vst v63  }
0x26: {  	_ =	swait.ge [sflag:s11], $0xC000  }
0x27: {  	[sflag:s11] =	ssyncset.done $0x0  }
0x28: {  	s0 =	rddreg [dreg:$0x8];
	[sflag:s11] =	ssyncadd.s32 $0xFFFF4000  }
0x29: {  	[hbm4b:s0+s2] =	stream.linear.scatter [tilespmem:s10], [sflag:$0x4], $0xC000, $0x38;
	[tilespmem:$0x18000] =	vst v63  }
0x2a: {  	s1 =	rddreg [dreg:$0x9]  }
0x2b: {  	[hbm4b:s1+s2] =	stream.linear.scatter [tilespmem:s10], [sflag:$0x4], $0xC000, $0x38;
	[tilespmem:$0x18000] =	vst v63  }
0x2c: {  	_ = 	snop  }
0x2d: {  	[hbm4b:s30+s2] =	stream.linear.scatter [tilespmem:s10], [sflag:$0x4], $0xC000, $0x38;
	[tilespmem:$0x18000] =	vst v63  }
0x2e: {  	_ = 	snop  }
0x2f: {  	[hbm4b:s31+s2] =	stream.linear.scatter [tilespmem:s10], [sflag:$0x4], $0xC000, $0x38;
	[tilespmem:$0x18000] =	vst v63  }
0x30: {  	_ =	swait.ge [sflag:s4], $0x4000  }
0x31: {  	[sflag:s4] =	ssyncset.done $0x0  }
0x32: {  	[sflag:s4] =	ssyncadd.s32 $0xFFFFC000  }
0x33: {  	_ =	swait.ge [sflag:s4], $0x4000  }
0x34: {  	[sflag:s4] =	ssyncset.done $0x0  }
0x35: {  	[sflag:s4] =	ssyncadd.s32 $0xFFFFC000  }
0x36: {  	_ =	swait.ge [sflag:s4], $0x4000  }
0x37: {  	[sflag:s4] =	ssyncset.done $0x0  }
0x38: {  	[sflag:s4] =	ssyncadd.s32 $0xFFFFC000  }
0x39: {  	_ =	swait.ge [sflag:s4], $0x4000  }
0x3a: {  	[sflag:s4] =	ssyncset.done $0x0  }
0x3b: {  	[sflag:s4] =	ssyncadd.s32 $0xFFFFC000  }
0x3c: {  	[tilespmem:s2], [sflag:$0x1] =	stream.linear.gather [hbm4b:s28+s2], $0xC000, $0x38;
	[tilespmem:$0x18000] =	vst v63  }
0x3d: {  	_ =	swait.ge [sflag:s20], $0xC000  }
0x3e: {  	[sflag:s20] =	ssyncset.done $0x0  }
0x3f: {  	[sflag:s20] =	ssyncadd.s32 $0xFFFF4000  }
0x40: {  	[hbm4b:s23+s2] =	stream.linear.scatter [tilespmem:s2], [sflag:$0x3], $0xC000, $0x38;
	[tilespmem:$0x18000] =	vst v63  }
0x41: {  	_ = 	snop  }
0x42: {  	[hbm4b:s24+s2] =	stream.linear.scatter [tilespmem:s2], [sflag:$0x3], $0xC000, $0x38;
	[tilespmem:$0x18000] =	vst v63  }
0x43: {  	_ = 	snop  }
0x44: {  	[hbm4b:s25+s2] =	stream.linear.scatter [tilespmem:s2], [sflag:$0x3], $0xC000, $0x38;
	[tilespmem:$0x18000] =	vst v63  }
0x45: {  	_ = 	snop  }
0x46: {  	[hbm4b:s26+s2] =	stream.linear.scatter [tilespmem:s2], [sflag:$0x3], $0xC000, $0x38;
	[tilespmem:$0x18000] =	vst v63  }
0x47: {  	_ =	swait.ge [sflag:s3], $0xC000  }
0x48: {  	[sflag:s3] =	ssyncset.done $0x0  }
0x49: {  	[sflag:s3] =	ssyncadd.s32 $0xFFFF4000  }
0x4a: {  	_ =	swait.ge [sflag:s3], $0xC000  }
0x4b: {  	[sflag:s3] =	ssyncset.done $0x0  }
0x4c: {  	[sflag:s3] =	ssyncadd.s32 $0xFFFF4000  }
0x4d: {  	_ =	swait.ge [sflag:s3], $0xC000  }
0x4e: {  	[sflag:s3] =	ssyncset.done $0x0  }
0x4f: {  	[sflag:s3] =	ssyncadd.s32 $0xFFFF4000  }
0x50: {  	_ =	swait.ge [sflag:s3], $0xC000  }
0x51: {  	[sflag:s3] =	ssyncset.done $0x0  }
0x52: {  	[sflag:s3] =	ssyncadd.s32 $0xFFFF4000  }
0x53: {  	[tilespmem:s10], [sflag:$0x2] =	stream.linear.gather [hbm4b:s22+s2], $0xC000, $0x38;
	[tilespmem:$0x18000] =	vst v63  }
0x54: {  	_ =	swait.ge [sflag:s11], $0xC000  }
0x55: {  	[sflag:s11] =	ssyncset.done $0x0  }
0x56: {  	[sflag:s11] =	ssyncadd.s32 $0xFFFF4000  }
0x57: {  	[hbm4b:s21+s2] =	stream.linear.scatter [tilespmem:s10], [sflag:$0x4], $0xC000, $0x38;
	[tilespmem:$0x18000] =	vst v63  }
0x58: {  	_ = 	snop  }
0x59: {  	[hbm4b:s17+s2] =	stream.linear.scatter [tilespmem:s10], [sflag:$0x4], $0xC000, $0x38;
	[tilespmem:$0x18000] =	vst v63  }
0x5a: {  	_ = 	snop  }
0x5b: {  	[hbm4b:s18+s2] =	stream.linear.scatter [tilespmem:s10], [sflag:$0x4], $0xC000, $0x38;
	[tilespmem:$0x18000] =	vst v63  }
0x5c: {  	_ = 	snop  }
0x5d: {  	[hbm4b:s19+s2] =	stream.linear.scatter [tilespmem:s10], [sflag:$0x4], $0xC000, $0x38;
	[tilespmem:$0x18000] =	vst v63  }
0x5e: {  	_ =	swait.ge [sflag:s4], $0xC000  }
0x5f: {  	[sflag:s4] =	ssyncset.done $0x0  }
0x60: {  	[sflag:s4] =	ssyncadd.s32 $0xFFFF4000  }
0x61: {  	_ =	swait.ge [sflag:s4], $0xC000  }
0x62: {  	[sflag:s4] =	ssyncset.done $0x0  }
0x63: {  	[sflag:s4] =	ssyncadd.s32 $0xFFFF4000  }
0x64: {  	_ =	swait.ge [sflag:s4], $0xC000  }
0x65: {  	[sflag:s4] =	ssyncset.done $0x0  }
0x66: {  	[sflag:s4] =	ssyncadd.s32 $0xFFFF4000  }
0x67: {  	_ =	swait.ge [sflag:s4], $0xC000  }
0x68: {  	[sflag:s4] =	ssyncset.done $0x0  }
0x69: {  	[sflag:s4] =	ssyncadd.s32 $0xFFFF4000  }
0x6a: {  	[tilespmem:s2], [sflag:$0x1] =	stream.linear.gather [hbm4b:s16+s2], $0xC000, $0x38;
	[tilespmem:$0x18000] =	vst v63  }
0x6b: {  	_ =	swait.ge [sflag:s20], $0xC000  }
0x6c: {  	[sflag:s20] =	ssyncset.done $0x0  }
0x6d: {  	[sflag:s20] =	ssyncadd.s32 $0xFFFF4000  }
0x6e: {  	[hbm4b:s12+s2] =	stream.linear.scatter [tilespmem:s2], [sflag:$0x3], $0xC000, $0x38;
	[tilespmem:$0x18000] =	vst v63  }
0x6f: {  	_ = 	snop  }
0x70: {  	[hbm4b:s13+s2] =	stream.linear.scatter [tilespmem:s2], [sflag:$0x3], $0xC000, $0x38;
	[tilespmem:$0x18000] =	vst v63  }
0x71: {  	_ = 	snop  }
0x72: {  	[hbm4b:s14+s2] =	stream.linear.scatter [tilespmem:s2], [sflag:$0x3], $0xC000, $0x38;
	[tilespmem:$0x18000] =	vst v63  }
0x73: {  	_ = 	snop  }
0x74: {  	[hbm4b:s15+s2] =	stream.linear.scatter [tilespmem:s2], [sflag:$0x3], $0xC000, $0x38;
	[tilespmem:$0x18000] =	vst v63  }
0x75: {  	_ =	swait.ge [sflag:s3], $0xC000  }
0x76: {  	[sflag:s3] =	ssyncset.done $0x0  }
0x77: {  	[sflag:s3] =	ssyncadd.s32 $0xFFFF4000  }
0x78: {  	_ =	swait.ge [sflag:s3], $0xC000  }
0x79: {  	[sflag:s3] =	ssyncset.done $0x0  }
0x7a: {  	[sflag:s3] =	ssyncadd.s32 $0xFFFF4000  }
0x7b: {  	_ =	swait.ge [sflag:s3], $0xC000  }
0x7c: {  	[sflag:s3] =	ssyncset.done $0x0  }
0x7d: {  	[sflag:s3] =	ssyncadd.s32 $0xFFFF4000  }
0x7e: {  	_ =	swait.ge [sflag:s3], $0xC000  }
0x7f: {  	[sflag:s3] =	ssyncset.done $0x0  }
0x80: {  	[sflag:s3] =	ssyncadd.s32 $0xFFFF4000  }
0x81: {  	[tilespmem:s10], [sflag:$0x2] =	stream.linear.gather [hbm4b:s8+s2], $0xC000, $0x38;
	[tilespmem:$0x18000] =	vst v63  }
0x82: {  	_ =	swait.ge [sflag:s11], $0xC000  }
0x83: {  	[sflag:s11] =	ssyncset.done $0x0  }
0x84: {  	[sflag:s11] =	ssyncadd.s32 $0xFFFF4000  }
0x85: {  	[hbm4b:s5+s2] =	stream.linear.scatter [tilespmem:s10], [sflag:$0x4], $0xC000, $0x38;
	[tilespmem:$0x18000] =	vst v63  }
0x86: {  	_ = 	snop  }
0x87: {  	[hbm4b:s6+s2] =	stream.linear.scatter [tilespmem:s10], [sflag:$0x4], $0xC000, $0x38;
	[tilespmem:$0x18000] =	vst v63  }
0x88: {  	_ = 	snop  }
0x89: {  	[hbm4b:s7+s2] =	stream.linear.scatter [tilespmem:s10], [sflag:$0x4], $0xC000, $0x38;
	[tilespmem:$0x18000] =	vst v63  }
0x8a: {  	_ = 	snop  }
0x8b: {  	[hbm4b:s9+s2] =	stream.linear.scatter [tilespmem:s10], [sflag:$0x4], $0xC000, $0x38;
	[tilespmem:$0x18000] =	vst v63  }
0x8c: {  	_ =	swait.ge [sflag:s4], $0xC000  }
0x8d: {  	[sflag:s4] =	ssyncset.done $0x0  }
0x8e: {  	[sflag:s4] =	ssyncadd.s32 $0xFFFF4000  }
0x8f: {  	_ =	swait.ge [sflag:s4], $0xC000  }
0x90: {  	[sflag:s4] =	ssyncset.done $0x0  }
0x91: {  	[sflag:s4] =	ssyncadd.s32 $0xFFFF4000  }
0x92: {  	_ =	swait.ge [sflag:s4], $0xC000  }
0x93: {  	[sflag:s4] =	ssyncset.done $0x0  }
0x94: {  	[sflag:s4] =	ssyncadd.s32 $0xFFFF4000  }
0x95: {  	_ =	swait.ge [sflag:s4], $0xC000  }
0x96: {  	[sflag:s4] =	ssyncset.done $0x0  }
0x97: {  	[sflag:s4] =	ssyncadd.s32 $0xFFFF4000  }
0x98: {  	_ =	swait.ge [sflag:s3], $0xC000  }
0x99: {  	[sflag:s3] =	ssyncset.done $0x0  }
0x9a: {  	[sflag:s3] =	ssyncadd.s32 $0xFFFF4000  }
0x9b: {  	_ =	swait.ge [sflag:s3], $0xC000  }
0x9c: {  	[sflag:s3] =	ssyncset.done $0x0  }
0x9d: {  	[sflag:s3] =	ssyncadd.s32 $0xFFFF4000  }
0x9e: {  	_ =	swait.ge [sflag:s3], $0xC000  }
0x9f: {  	s1 =	rddreg [dreg:$0xa]  }
0xa0: {  	p1 =	sne.s32 s1, $0x1  }
.Ltmp1:
0xa1: {  	_ = 	snop;
	(pc) =	sbr.rel @!p1 .LBB2_3-.Ltmp1, $4  }
0xa2: {  	[sflag:s3] =	ssyncset.done $0x0  }
0xa3: {  	[sflag:s3] =	ssyncadd.s32 $0xFFFF4000  }
0xa4: {  	p0 =	por $0x1, $0x1;
	_ =	swait.ge [sflag:s3], $0xC000  }
0xa5: {  	s0 =	sadd.s32 $0xFFFFFFFF, s1;
	s1 =	rddreg [dreg:$0x3];
	[sflag:s3] =	ssyncset.done $0x0  }
.LBB2_2:
0xa6: {  	[sflag:s3] =	ssyncadd.s32 $0xFFFF4000  }
0xa7: {  	[tilespmem:s2], [sflag:$0x1] =	stream.linear.gather [hbm4b:s1+s2], $0x4000, $0x38;
	[tilespmem:$0x18000] =	vst v63  }
0xa8: {  	_ =	swait.ge [sflag:s20], $0x4000  }
0xa9: {  	[sflag:s20] =	ssyncset.done $0x0  }
0xaa: {  	s11 =	smov.u32 s29;
	[sflag:s20] =	ssyncadd.s32 $0xFFFFC000  }
0xab: {  	[hbm4b:s29+s2] =	stream.linear.scatter [tilespmem:s2], [sflag:$0x3], $0x4000, $0x38;
	[tilespmem:$0x18000] =	vst v63  }
0xac: {  	s1 =	rddreg [dreg:$0x4];
	s29 =	smov.u32 s31;
	s31 =	smov.u32 s30  }
0xad: {  	s30 =	smov.u32 s28;
	s28 =	smov.u32 s26;
	s26 =	smov.u32 s25  }
0xae: {  	s25 =	smov.u32 s24;
	s24 =	smov.u32 s23;
	s23 =	smov.u32 s22  }
0xaf: {  	s22 =	smov.u32 s21;
	s21 =	smov.u32 s19;
	s19 =	smov.u32 s18  }
0xb0: {  	s18 =	smov.u32 s17;
	s17 =	smov.u32 s16;
	s16 =	smov.u32 s15  }
0xb1: {  	s15 =	smov.u32 s14;
	s14 =	smov.u32 s13;
	s13 =	smov.u32 s12  }
0xb2: {  	s12 =	smov.u32 s9;
	s9 =	smov.u32 s8;
	s8 =	smov.u32 s7  }
0xb3: {  	[hbm4b:s1+s2] =	stream.linear.scatter [tilespmem:s2], [sflag:$0x3], $0x4000, $0x38;
	[tilespmem:$0x18000] =	vst v63  }
0xb4: {  	s7 =	smov.u32 s6;
	s6 =	smov.u32 s5;
	s5 =	rddreg [dreg:$0x5]  }
0xb5: {  	[hbm4b:s5+s2] =	stream.linear.scatter [tilespmem:s2], [sflag:$0x3], $0x4000, $0x38;
	[tilespmem:$0x18000] =	vst v63  }
0xb6: {  	s1 =	rddreg [dreg:$0x6]  }
0xb7: {  	[hbm4b:s1+s2] =	stream.linear.scatter [tilespmem:s2], [sflag:$0x3], $0x4000, $0x38;
	[tilespmem:$0x18000] =	vst v63  }
0xb8: {  	s20 =	simm.s32 $0x2;
	s5 =	rddreg [dreg:$0x7]  }
0xb9: {  	[tilespmem:s10], [sflag:$0x2] =	stream.linear.gather [hbm4b:s5+s2], $0xC000, $0x38;
	[tilespmem:$0x18000] =	vst v63  }
0xba: {  	_ =	swait.ge [sflag:s20], $0xC000  }
0xbb: {  	[sflag:s20] =	ssyncset.done $0x0  }
0xbc: {  	s1 =	rddreg [dreg:$0x8];
	[sflag:s20] =	ssyncadd.s32 $0xFFFF4000  }
0xbd: {  	[hbm4b:s1+s2] =	stream.linear.scatter [tilespmem:s10], [sflag:$0x4], $0xC000, $0x38;
	[tilespmem:$0x18000] =	vst v63  }
0xbe: {  	s5 =	rddreg [dreg:$0x9]  }
0xbf: {  	[hbm4b:s5+s2] =	stream.linear.scatter [tilespmem:s10], [sflag:$0x4], $0xC000, $0x38;
	[tilespmem:$0x18000] =	vst v63  }
0xc0: {  	s5 =	smov.u32 s6;
	s6 =	smov.u32 s7;
	s7 =	smov.u32 s8  }
0xc1: {  	s8 =	smov.u32 s9;
	s9 =	smov.u32 s12;
	s12 =	smov.u32 s13  }
0xc2: {  	s13 =	smov.u32 s14;
	s14 =	smov.u32 s15;
	s15 =	smov.u32 s16  }
0xc3: {  	s16 =	smov.u32 s17;
	s17 =	smov.u32 s18;
	s18 =	smov.u32 s19  }
0xc4: {  	s19 =	smov.u32 s21;
	s21 =	smov.u32 s22;
	s22 =	smov.u32 s23  }
0xc5: {  	s23 =	smov.u32 s24;
	s24 =	smov.u32 s25;
	s25 =	smov.u32 s26  }
0xc6: {  	s26 =	smov.u32 s28;
	s28 =	smov.u32 s30;
	s30 =	smov.u32 s31  }
0xc7: {  	[hbm4b:s30+s2] =	stream.linear.scatter [tilespmem:s10], [sflag:$0x4], $0xC000, $0x38;
	[tilespmem:$0x18000] =	vst v63  }
0xc8: {  	s31 =	smov.u32 s29  }
0xc9: {  	[hbm4b:s31+s2] =	stream.linear.scatter [tilespmem:s10], [sflag:$0x4], $0xC000, $0x38;
	[tilespmem:$0x18000] =	vst v63  }
0xca: {  	_ =	swait.ge [sflag:s4], $0x4000  }
0xcb: {  	[sflag:s4] =	ssyncset.done $0x0  }
0xcc: {  	[sflag:s4] =	ssyncadd.s32 $0xFFFFC000  }
0xcd: {  	_ =	swait.ge [sflag:s4], $0x4000  }
0xce: {  	[sflag:s4] =	ssyncset.done $0x0  }
0xcf: {  	[sflag:s4] =	ssyncadd.s32 $0xFFFFC000  }
0xd0: {  	_ =	swait.ge [sflag:s4], $0x4000  }
0xd1: {  	[sflag:s4] =	ssyncset.done $0x0  }
0xd2: {  	[sflag:s4] =	ssyncadd.s32 $0xFFFFC000  }
0xd3: {  	_ =	swait.ge [sflag:s4], $0x4000  }
0xd4: {  	[sflag:s4] =	ssyncset.done $0x0  }
0xd5: {  	s20 =	simm.s32 $0x1;
	[sflag:s4] =	ssyncadd.s32 $0xFFFFC000  }
0xd6: {  	[tilespmem:s2], [sflag:$0x1] =	stream.linear.gather [hbm4b:s28+s2], $0xC000, $0x38;
	[tilespmem:$0x18000] =	vst v63  }
0xd7: {  	_ =	swait.ge [sflag:s20], $0xC000  }
0xd8: {  	[sflag:s20] =	ssyncset.done $0x0  }
0xd9: {  	[sflag:s20] =	ssyncadd.s32 $0xFFFF4000  }
0xda: {  	[hbm4b:s23+s2] =	stream.linear.scatter [tilespmem:s2], [sflag:$0x3], $0xC000, $0x38;
	[tilespmem:$0x18000] =	vst v63  }
0xdb: {  	_ = 	snop  }
0xdc: {  	[hbm4b:s24+s2] =	stream.linear.scatter [tilespmem:s2], [sflag:$0x3], $0xC000, $0x38;
	[tilespmem:$0x18000] =	vst v63  }
0xdd: {  	_ = 	snop  }
0xde: {  	[hbm4b:s25+s2] =	stream.linear.scatter [tilespmem:s2], [sflag:$0x3], $0xC000, $0x38;
	[tilespmem:$0x18000] =	vst v63  }
0xdf: {  	_ = 	snop  }
0xe0: {  	[hbm4b:s26+s2] =	stream.linear.scatter [tilespmem:s2], [sflag:$0x3], $0xC000, $0x38;
	[tilespmem:$0x18000] =	vst v63  }
0xe1: {  	_ =	swait.ge [sflag:s3], $0xC000  }
0xe2: {  	[sflag:s3] =	ssyncset.done $0x0  }
0xe3: {  	[sflag:s3] =	ssyncadd.s32 $0xFFFF4000  }
0xe4: {  	_ =	swait.ge [sflag:s3], $0xC000  }
0xe5: {  	[sflag:s3] =	ssyncset.done $0x0  }
0xe6: {  	[sflag:s3] =	ssyncadd.s32 $0xFFFF4000  }
0xe7: {  	_ =	swait.ge [sflag:s3], $0xC000  }
0xe8: {  	[sflag:s3] =	ssyncset.done $0x0  }
0xe9: {  	[sflag:s3] =	ssyncadd.s32 $0xFFFF4000  }
0xea: {  	_ =	swait.ge [sflag:s3], $0xC000  }
0xeb: {  	[sflag:s3] =	ssyncset.done $0x0  }
0xec: {  	s29 =	smov.u32 s11;
	s11 =	simm.s32 $0x2;
	[sflag:s3] =	ssyncadd.s32 $0xFFFF4000  }
0xed: {  	[tilespmem:s10], [sflag:$0x2] =	stream.linear.gather [hbm4b:s22+s2], $0xC000, $0x38;
	[tilespmem:$0x18000] =	vst v63  }
0xee: {  	_ =	swait.ge [sflag:s11], $0xC000  }
0xef: {  	[sflag:s11] =	ssyncset.done $0x0  }
0xf0: {  	[sflag:s11] =	ssyncadd.s32 $0xFFFF4000  }
0xf1: {  	[hbm4b:s21+s2] =	stream.linear.scatter [tilespmem:s10], [sflag:$0x4], $0xC000, $0x38;
	[tilespmem:$0x18000] =	vst v63  }
0xf2: {  	_ = 	snop  }
0xf3: {  	[hbm4b:s17+s2] =	stream.linear.scatter [tilespmem:s10], [sflag:$0x4], $0xC000, $0x38;
	[tilespmem:$0x18000] =	vst v63  }
0xf4: {  	_ = 	snop  }
0xf5: {  	[hbm4b:s18+s2] =	stream.linear.scatter [tilespmem:s10], [sflag:$0x4], $0xC000, $0x38;
	[tilespmem:$0x18000] =	vst v63  }
0xf6: {  	_ = 	snop  }
0xf7: {  	[hbm4b:s19+s2] =	stream.linear.scatter [tilespmem:s10], [sflag:$0x4], $0xC000, $0x38;
	[tilespmem:$0x18000] =	vst v63  }
0xf8: {  	_ =	swait.ge [sflag:s4], $0xC000  }
0xf9: {  	[sflag:s4] =	ssyncset.done $0x0  }
0xfa: {  	[sflag:s4] =	ssyncadd.s32 $0xFFFF4000  }
0xfb: {  	_ =	swait.ge [sflag:s4], $0xC000  }
0xfc: {  	[sflag:s4] =	ssyncset.done $0x0  }
0xfd: {  	[sflag:s4] =	ssyncadd.s32 $0xFFFF4000  }
0xfe: {  	_ =	swait.ge [sflag:s4], $0xC000  }
0xff: {  	[sflag:s4] =	ssyncset.done $0x0  }
0x100: {  	[sflag:s4] =	ssyncadd.s32 $0xFFFF4000  }
0x101: {  	_ =	swait.ge [sflag:s4], $0xC000  }
0x102: {  	[sflag:s4] =	ssyncset.done $0x0  }
0x103: {  	[sflag:s4] =	ssyncadd.s32 $0xFFFF4000  }
0x104: {  	[tilespmem:s2], [sflag:$0x1] =	stream.linear.gather [hbm4b:s16+s2], $0xC000, $0x38;
	[tilespmem:$0x18000] =	vst v63  }
0x105: {  	_ =	swait.ge [sflag:s20], $0xC000  }
0x106: {  	[sflag:s20] =	ssyncset.done $0x0  }
0x107: {  	[sflag:s20] =	ssyncadd.s32 $0xFFFF4000  }
0x108: {  	[hbm4b:s12+s2] =	stream.linear.scatter [tilespmem:s2], [sflag:$0x3], $0xC000, $0x38;
	[tilespmem:$0x18000] =	vst v63  }
0x109: {  	_ = 	snop  }
0x10a: {  	[hbm4b:s13+s2] =	stream.linear.scatter [tilespmem:s2], [sflag:$0x3], $0xC000, $0x38;
	[tilespmem:$0x18000] =	vst v63  }
0x10b: {  	_ = 	snop  }
0x10c: {  	[hbm4b:s14+s2] =	stream.linear.scatter [tilespmem:s2], [sflag:$0x3], $0xC000, $0x38;
	[tilespmem:$0x18000] =	vst v63  }
0x10d: {  	_ = 	snop  }
0x10e: {  	[hbm4b:s15+s2] =	stream.linear.scatter [tilespmem:s2], [sflag:$0x3], $0xC000, $0x38;
	[tilespmem:$0x18000] =	vst v63  }
0x10f: {  	_ =	swait.ge [sflag:s3], $0xC000  }
0x110: {  	[sflag:s3] =	ssyncset.done $0x0  }
0x111: {  	[sflag:s3] =	ssyncadd.s32 $0xFFFF4000  }
0x112: {  	_ =	swait.ge [sflag:s3], $0xC000  }
0x113: {  	[sflag:s3] =	ssyncset.done $0x0  }
0x114: {  	[sflag:s3] =	ssyncadd.s32 $0xFFFF4000  }
0x115: {  	_ =	swait.ge [sflag:s3], $0xC000  }
0x116: {  	[sflag:s3] =	ssyncset.done $0x0  }
0x117: {  	[sflag:s3] =	ssyncadd.s32 $0xFFFF4000  }
0x118: {  	_ =	swait.ge [sflag:s3], $0xC000  }
0x119: {  	[sflag:s3] =	ssyncset.done $0x0  }
0x11a: {  	[sflag:s3] =	ssyncadd.s32 $0xFFFF4000  }
0x11b: {  	[tilespmem:s10], [sflag:$0x2] =	stream.linear.gather [hbm4b:s8+s2], $0xC000, $0x38;
	[tilespmem:$0x18000] =	vst v63  }
0x11c: {  	_ =	swait.ge [sflag:s11], $0xC000  }
0x11d: {  	[sflag:s11] =	ssyncset.done $0x0  }
0x11e: {  	[sflag:s11] =	ssyncadd.s32 $0xFFFF4000  }
0x11f: {  	[hbm4b:s5+s2] =	stream.linear.scatter [tilespmem:s10], [sflag:$0x4], $0xC000, $0x38;
	[tilespmem:$0x18000] =	vst v63  }
0x120: {  	_ = 	snop  }
0x121: {  	[hbm4b:s6+s2] =	stream.linear.scatter [tilespmem:s10], [sflag:$0x4], $0xC000, $0x38;
	[tilespmem:$0x18000] =	vst v63  }
0x122: {  	_ = 	snop  }
0x123: {  	[hbm4b:s7+s2] =	stream.linear.scatter [tilespmem:s10], [sflag:$0x4], $0xC000, $0x38;
	[tilespmem:$0x18000] =	vst v63  }
0x124: {  	_ = 	snop  }
0x125: {  	[hbm4b:s9+s2] =	stream.linear.scatter [tilespmem:s10], [sflag:$0x4], $0xC000, $0x38;
	[tilespmem:$0x18000] =	vst v63  }
0x126: {  	_ =	swait.ge [sflag:s4], $0xC000  }
0x127: {  	[sflag:s4] =	ssyncset.done $0x0  }
0x128: {  	[sflag:s4] =	ssyncadd.s32 $0xFFFF4000  }
0x129: {  	_ =	swait.ge [sflag:s4], $0xC000  }
0x12a: {  	[sflag:s4] =	ssyncset.done $0x0  }
0x12b: {  	[sflag:s4] =	ssyncadd.s32 $0xFFFF4000  }
0x12c: {  	_ =	swait.ge [sflag:s4], $0xC000  }
0x12d: {  	[sflag:s4] =	ssyncset.done $0x0  }
0x12e: {  	[sflag:s4] =	ssyncadd.s32 $0xFFFF4000  }
0x12f: {  	_ =	swait.ge [sflag:s4], $0xC000  }
0x130: {  	[sflag:s4] =	ssyncset.done $0x0  }
0x131: {  	[sflag:s4] =	ssyncadd.s32 $0xFFFF4000  }
0x132: {  	_ =	swait.ge [sflag:s3], $0xC000  }
0x133: {  	[sflag:s3] =	ssyncset.done $0x0  }
0x134: {  	[sflag:s3] =	ssyncadd.s32 $0xFFFF4000  }
0x135: {  	_ =	swait.ge [sflag:s3], $0xC000  }
0x136: {  	[sflag:s3] =	ssyncset.done $0x0  }
0x137: {  	p1 =	sne.s32 s0, $0x1;
	[sflag:s3] =	ssyncadd.s32 $0xFFFF4000  }
.Ltmp2:
0x138: {  	_ =	swait.ge [sflag:s3], $0xC000;
	(pc) =	sbr.rel @p1 .LBB2_2-.Ltmp2, $4  }
0x139: {  	[sflag:s3] =	ssyncset.done $0x0  }
0x13a: {  	[sflag:s3] =	ssyncadd.s32 $0xFFFF4000  }
0x13b: {  	_ =	swait.ge [sflag:s3], $0xC000  }
0x13c: {  	s0 =	sadd.s32 $0xFFFFFFFF, s0;
	s1 =	rddreg [dreg:$0x3];
	[sflag:s3] =	ssyncset.done $0x0  }
.LBB2_3:
0x13d: {  	[sflag:s3] =	ssyncadd.s32 @p0 $0xFFFF4000  }
0x13e: {  	[tilespmem:s2], [sflag:$0x1] =	stream.linear.gather [hbm4b:s1+s2], $0x4000, $0x38;
	[tilespmem:$0x18000] =	vst v63  }
0x13f: {  	_ =	swait.ge [sflag:s20], $0x4000  }
0x140: {  	[sflag:s20] =	ssyncset.done $0x0  }
0x141: {  	[sflag:s20] =	ssyncadd.s32 $0xFFFFC000  }
0x142: {  	[hbm4b:s29+s2] =	stream.linear.scatter [tilespmem:s2], [sflag:$0x3], $0x4000, $0x38;
	[tilespmem:$0x18000] =	vst v63  }
0x143: {  	s0 =	rddreg [dreg:$0x4]  }
0x144: {  	[hbm4b:s0+s2] =	stream.linear.scatter [tilespmem:s2], [sflag:$0x3], $0x4000, $0x38;
	[tilespmem:$0x18000] =	vst v63  }
0x145: {  	s29 =	rddreg [dreg:$0x5]  }
0x146: {  	[hbm4b:s29+s2] =	stream.linear.scatter [tilespmem:s2], [sflag:$0x3], $0x4000, $0x38;
	[tilespmem:$0x18000] =	vst v63  }
0x147: {  	s0 =	rddreg [dreg:$0x6]  }
0x148: {  	[hbm4b:s0+s2] =	stream.linear.scatter [tilespmem:s2], [sflag:$0x3], $0x4000, $0x38;
	[tilespmem:$0x18000] =	vst v63  }
0x149: {  	s29 =	rddreg [dreg:$0x7]  }
0x14a: {  	[tilespmem:s10], [sflag:$0x2] =	stream.linear.gather [hbm4b:s29+s2], $0xC000, $0x38;
	[tilespmem:$0x18000] =	vst v63  }
0x14b: {  	_ =	swait.ge [sflag:s11], $0xC000  }
0x14c: {  	[sflag:s11] =	ssyncset.done $0x0  }
0x14d: {  	s1 =	rddreg [dreg:$0x8];
	[sflag:s11] =	ssyncadd.s32 $0xFFFF4000  }
0x14e: {  	[hbm4b:s1+s2] =	stream.linear.scatter [tilespmem:s10], [sflag:$0x4], $0xC000, $0x38;
	[tilespmem:$0x18000] =	vst v63  }
0x14f: {  	s29 =	rddreg [dreg:$0x9]  }
0x150: {  	[hbm4b:s29+s2] =	stream.linear.scatter [tilespmem:s10], [sflag:$0x4], $0xC000, $0x38;
	[tilespmem:$0x18000] =	vst v63  }
0x151: {  	_ = 	snop  }
0x152: {  	[hbm4b:s30+s2] =	stream.linear.scatter [tilespmem:s10], [sflag:$0x4], $0xC000, $0x38;
	[tilespmem:$0x18000] =	vst v63  }
0x153: {  	_ = 	snop  }
0x154: {  	[hbm4b:s31+s2] =	stream.linear.scatter [tilespmem:s10], [sflag:$0x4], $0xC000, $0x38;
	[tilespmem:$0x18000] =	vst v63  }
0x155: {  	_ =	swait.ge [sflag:s4], $0x4000  }
0x156: {  	[sflag:s4] =	ssyncset.done $0x0  }
0x157: {  	[sflag:s4] =	ssyncadd.s32 $0xFFFFC000  }
0x158: {  	_ =	swait.ge [sflag:s4], $0x4000  }
0x159: {  	[sflag:s4] =	ssyncset.done $0x0  }
0x15a: {  	[sflag:s4] =	ssyncadd.s32 $0xFFFFC000  }
0x15b: {  	_ =	swait.ge [sflag:s4], $0x4000  }
0x15c: {  	[sflag:s4] =	ssyncset.done $0x0  }
0x15d: {  	[sflag:s4] =	ssyncadd.s32 $0xFFFFC000  }
0x15e: {  	_ =	swait.ge [sflag:s4], $0x4000  }
0x15f: {  	[sflag:s4] =	ssyncset.done $0x0  }
0x160: {  	[sflag:s4] =	ssyncadd.s32 $0xFFFFC000  }
0x161: {  	[tilespmem:s2], [sflag:$0x1] =	stream.linear.gather [hbm4b:s28+s2], $0xC000, $0x38;
	[tilespmem:$0x18000] =	vst v63  }
0x162: {  	_ =	swait.ge [sflag:s20], $0xC000  }
0x163: {  	[sflag:s20] =	ssyncset.done $0x0  }
0x164: {  	[sflag:s20] =	ssyncadd.s32 $0xFFFF4000  }
0x165: {  	[hbm4b:s23+s2] =	stream.linear.scatter [tilespmem:s2], [sflag:$0x3], $0xC000, $0x38;
	[tilespmem:$0x18000] =	vst v63  }
0x166: {  	_ = 	snop  }
0x167: {  	[hbm4b:s24+s2] =	stream.linear.scatter [tilespmem:s2], [sflag:$0x3], $0xC000, $0x38;
	[tilespmem:$0x18000] =	vst v63  }
0x168: {  	_ = 	snop  }
0x169: {  	[hbm4b:s25+s2] =	stream.linear.scatter [tilespmem:s2], [sflag:$0x3], $0xC000, $0x38;
	[tilespmem:$0x18000] =	vst v63  }
0x16a: {  	_ = 	snop  }
0x16b: {  	[hbm4b:s26+s2] =	stream.linear.scatter [tilespmem:s2], [sflag:$0x3], $0xC000, $0x38;
	[tilespmem:$0x18000] =	vst v63  }
0x16c: {  	_ =	swait.ge [sflag:s3], $0xC000  }
0x16d: {  	[sflag:s3] =	ssyncset.done $0x0  }
0x16e: {  	[sflag:s3] =	ssyncadd.s32 $0xFFFF4000  }
0x16f: {  	_ =	swait.ge [sflag:s3], $0xC000  }
0x170: {  	[sflag:s3] =	ssyncset.done $0x0  }
0x171: {  	[sflag:s3] =	ssyncadd.s32 $0xFFFF4000  }
0x172: {  	_ =	swait.ge [sflag:s3], $0xC000  }
0x173: {  	[sflag:s3] =	ssyncset.done $0x0  }
0x174: {  	[sflag:s3] =	ssyncadd.s32 $0xFFFF4000  }
0x175: {  	_ =	swait.ge [sflag:s3], $0xC000  }
0x176: {  	[sflag:s3] =	ssyncset.done $0x0  }
0x177: {  	[sflag:s3] =	ssyncadd.s32 $0xFFFF4000  }
0x178: {  	[tilespmem:s10], [sflag:$0x2] =	stream.linear.gather [hbm4b:s22+s2], $0xC000, $0x38;
	[tilespmem:$0x18000] =	vst v63  }
0x179: {  	_ =	swait.ge [sflag:s11], $0xC000  }
0x17a: {  	[sflag:s11] =	ssyncset.done $0x0  }
0x17b: {  	[sflag:s11] =	ssyncadd.s32 $0xFFFF4000  }
0x17c: {  	[hbm4b:s21+s2] =	stream.linear.scatter [tilespmem:s10], [sflag:$0x4], $0xC000, $0x38;
	[tilespmem:$0x18000] =	vst v63  }
0x17d: {  	_ = 	snop  }
0x17e: {  	[hbm4b:s17+s2] =	stream.linear.scatter [tilespmem:s10], [sflag:$0x4], $0xC000, $0x38;
	[tilespmem:$0x18000] =	vst v63  }
0x17f: {  	_ = 	snop  }
0x180: {  	[hbm4b:s18+s2] =	stream.linear.scatter [tilespmem:s10], [sflag:$0x4], $0xC000, $0x38;
	[tilespmem:$0x18000] =	vst v63  }
0x181: {  	_ = 	snop  }
0x182: {  	[hbm4b:s19+s2] =	stream.linear.scatter [tilespmem:s10], [sflag:$0x4], $0xC000, $0x38;
	[tilespmem:$0x18000] =	vst v63  }
0x183: {  	_ =	swait.ge [sflag:s4], $0xC000  }
0x184: {  	[sflag:s4] =	ssyncset.done $0x0  }
0x185: {  	[sflag:s4] =	ssyncadd.s32 $0xFFFF4000  }
0x186: {  	_ =	swait.ge [sflag:s4], $0xC000  }
0x187: {  	[sflag:s4] =	ssyncset.done $0x0  }
0x188: {  	[sflag:s4] =	ssyncadd.s32 $0xFFFF4000  }
0x189: {  	_ =	swait.ge [sflag:s4], $0xC000  }
0x18a: {  	[sflag:s4] =	ssyncset.done $0x0  }
0x18b: {  	[sflag:s4] =	ssyncadd.s32 $0xFFFF4000  }
0x18c: {  	_ =	swait.ge [sflag:s4], $0xC000  }
0x18d: {  	[sflag:s4] =	ssyncset.done $0x0  }
0x18e: {  	[sflag:s4] =	ssyncadd.s32 $0xFFFF4000  }
0x18f: {  	[tilespmem:s2], [sflag:$0x1] =	stream.linear.gather [hbm4b:s16+s2], $0xC000, $0x38;
	[tilespmem:$0x18000] =	vst v63  }
0x190: {  	_ =	swait.ge [sflag:s20], $0xC000  }
0x191: {  	[sflag:s20] =	ssyncset.done $0x0  }
0x192: {  	[sflag:s20] =	ssyncadd.s32 $0xFFFF4000  }
0x193: {  	[hbm4b:s12+s2] =	stream.linear.scatter [tilespmem:s2], [sflag:$0x3], $0xC000, $0x38;
	[tilespmem:$0x18000] =	vst v63  }
0x194: {  	_ = 	snop  }
0x195: {  	[hbm4b:s13+s2] =	stream.linear.scatter [tilespmem:s2], [sflag:$0x3], $0xC000, $0x38;
	[tilespmem:$0x18000] =	vst v63  }
0x196: {  	_ = 	snop  }
0x197: {  	[hbm4b:s14+s2] =	stream.linear.scatter [tilespmem:s2], [sflag:$0x3], $0xC000, $0x38;
	[tilespmem:$0x18000] =	vst v63  }
0x198: {  	_ = 	snop  }
0x199: {  	[hbm4b:s15+s2] =	stream.linear.scatter [tilespmem:s2], [sflag:$0x3], $0xC000, $0x38;
	[tilespmem:$0x18000] =	vst v63  }
0x19a: {  	_ =	swait.ge [sflag:s3], $0xC000  }
0x19b: {  	[sflag:s3] =	ssyncset.done $0x0  }
0x19c: {  	[sflag:s3] =	ssyncadd.s32 $0xFFFF4000  }
0x19d: {  	_ =	swait.ge [sflag:s3], $0xC000  }
0x19e: {  	[sflag:s3] =	ssyncset.done $0x0  }
0x19f: {  	[sflag:s3] =	ssyncadd.s32 $0xFFFF4000  }
0x1a0: {  	_ =	swait.ge [sflag:s3], $0xC000  }
0x1a1: {  	[sflag:s3] =	ssyncset.done $0x0  }
0x1a2: {  	[sflag:s3] =	ssyncadd.s32 $0xFFFF4000  }
0x1a3: {  	_ =	swait.ge [sflag:s3], $0xC000  }
0x1a4: {  	[sflag:s3] =	ssyncset.done $0x0  }
0x1a5: {  	[sflag:s3] =	ssyncadd.s32 $0xFFFF4000  }
0x1a6: {  	[tilespmem:s10], [sflag:$0x2] =	stream.linear.gather [hbm4b:s8+s2], $0xC000, $0x38;
	[tilespmem:$0x18000] =	vst v63  }
0x1a7: {  	_ =	swait.ge [sflag:s11], $0xC000  }
0x1a8: {  	[sflag:s11] =	ssyncset.done $0x0  }
0x1a9: {  	[sflag:s11] =	ssyncadd.s32 $0xFFFF4000  }
0x1aa: {  	[hbm4b:s5+s2] =	stream.linear.scatter [tilespmem:s10], [sflag:$0x4], $0xC000, $0x38;
	[tilespmem:$0x18000] =	vst v63  }
0x1ab: {  	_ = 	snop  }
0x1ac: {  	[hbm4b:s6+s2] =	stream.linear.scatter [tilespmem:s10], [sflag:$0x4], $0xC000, $0x38;
	[tilespmem:$0x18000] =	vst v63  }
0x1ad: {  	_ = 	snop  }
0x1ae: {  	[hbm4b:s7+s2] =	stream.linear.scatter [tilespmem:s10], [sflag:$0x4], $0xC000, $0x38;
	[tilespmem:$0x18000] =	vst v63  }
0x1af: {  	_ = 	snop  }
0x1b0: {  	[hbm4b:s9+s2] =	stream.linear.scatter [tilespmem:s10], [sflag:$0x4], $0xC000, $0x38;
	[tilespmem:$0x18000] =	vst v63  }
0x1b1: {  	_ =	swait.ge [sflag:s4], $0xC000  }
0x1b2: {  	[sflag:s4] =	ssyncset.done $0x0  }
0x1b3: {  	[sflag:s4] =	ssyncadd.s32 $0xFFFF4000  }
0x1b4: {  	_ =	swait.ge [sflag:s4], $0xC000  }
0x1b5: {  	[sflag:s4] =	ssyncset.done $0x0  }
0x1b6: {  	[sflag:s4] =	ssyncadd.s32 $0xFFFF4000  }
0x1b7: {  	_ =	swait.ge [sflag:s4], $0xC000  }
0x1b8: {  	[sflag:s4] =	ssyncset.done $0x0  }
0x1b9: {  	[sflag:s4] =	ssyncadd.s32 $0xFFFF4000  }
0x1ba: {  	_ =	swait.ge [sflag:s4], $0xC000  }
0x1bb: {  	[sflag:s4] =	ssyncset.done $0x0  }
0x1bc: {  	[sflag:s4] =	ssyncadd.s32 $0xFFFF4000  }
0x1bd: {  	_ =	swait.ge [sflag:s3], $0xC000  }
0x1be: {  	[sflag:s3] =	ssyncset.done $0x0  }
0x1bf: {  	[sflag:s3] =	ssyncadd.s32 $0xFFFF4000  }
0x1c0: {  	_ =	swait.ge [sflag:s3], $0xC000  }
0x1c1: {  	[sflag:s3] =	ssyncset.done $0x0  }
0x1c2: {  	[sflag:s3] =	ssyncadd.s32 $0xFFFF4000  }
0x1c3: {  	_ =	swait.ge [sflag:s3], $0xC000  }
0x1c4: {  	[sflag:s3] =	ssyncset.done $0x0  }
0x1c5: {  	[sflag:s3] =	ssyncadd.s32 $0xFFFF4000  }
0x1c6: {  	_ =	swait.ge [sflag:s3], $0xC000  }
0x1c7: {  	[sflag:s3] =	ssyncset.done $0x0  }
0x1c8: {  	[sflag:s3] =	ssyncadd.s32 $0xFFFF4000  }
0x1c9: {  	_ =	sfence.sel $0x180000  }
0x1ca: {  	[bflag:$0x0] =	sbarrier.arrive $0xFFFF  }
0x1cb: {  	_ =	strace $0x90000047  }
0x1cc: {  	s31 =	stileid.u32;
	[bflag:$0x2] =	sbarrier.arrive $0xFFFF  }
0x1cd: {  	p0 =	sne.s32 s31, $0x0;
	s0 =	rddreg [dreg:$0x2]  }
0x1ce: {  	s0 =	sadd.s32 @!p0 $0x100000, s0  }
0x1cf: {  	[sflag:s0] =	ssyncadd.tile.s32 @!p0 $0x1;
	_ =	shalt  }
.Lfunc_end2:
_tile_overlayer_lowered:
.L_overlay_start_2:
0x1d0: {  	(tag) =	ssettag $0x2  }
0x1d1: {  	s0 =	rddreg [dreg:$0x0];
	s2 =	stileid.u32  }
0x1d2: {  	s1 =	rddreg [dreg:$0x1];
	p0 =	sne.s32 s2, $0x0  }
0x1d3: {  	s3 =	rddreg [dreg:$0x2];
	[bflag:$0x3] =	sbarrier.arrive $0xFFFF;
	s2 =	simm.s32 @!p0 $0x1C05  }
0x1d4: {  	[timem:s3], [sflag:s2] =	dma.local @!p0 [hbm:s0], s1  }
0x1d5: {  	s0 =	simm.s32 @!p0 $0x5  }
0x1d6: {  	_ =	swait.ge @!p0 [sflag:s0], s1  }
0x1d7: {  	s1 =	ssub.s32 @!p0 $0x0, s1;
	[sflag:s0] =	ssyncset.done @!p0 $0x0  }
0x1d8: {  	[sflag:s0] =	ssyncadd.s32 @!p0 s1  }
0x1d9: {  	[bflag:$0x3] =	sbarrier.arrive $0xFFFF  }
0x1da: {  	_ =	shalt  }

</sc_bundles>
